<compile_context>
chip_gen: v7x
topology: tpu7x:2x2x1
jax: 0.10.2.dev20260603
libtpu: 0.0.44.dev20260713+nightly
codegen_flags: <defaults>
</compile_context>

<pallas_src>
import functools

import jax
import jax.numpy as jnp
from jax import lax
from jax.experimental import pallas as pl
from jax.experimental.pallas import tpu as pltpu
from jax.experimental.pallas import tpu_sc as plsc

N = 10000
E = 160000
IN = 128
HID = 256
OUT = 128
DE = 16
NE = 8

BLK = 256
NG = (N + BLK - 1) // BLK

EB = 128
NC = 2
NS = 16
NW = NC * NS
NBLK = E // EB
JMAX = (NBLK + NW - 1) // NW
WCHUNK = 632
NPAD = NS * WCHUNK



@functools.lru_cache(maxsize=None)
def _make_scpass(gather):
    mesh = plsc.VectorSubcoreMesh(core_axis_name="c", subcore_axis_name="s")

    @functools.partial(
        pl.kernel,
        mesh=mesh,
        out_type=jax.ShapeDtypeStruct((NC, NPAD, 128), jnp.float32),
        scratch_types=[
            pltpu.VMEM((EB,), jnp.int32),
            pltpu.VMEM((EB,), jnp.int32),
            pltpu.VMEM((EB, 128), jnp.float32),
            pltpu.VMEM_SHARED((NPAD, 128), jnp.float32),
            pltpu.SemaphoreType.DMA,
        ],
    )
    def k(vals, src3d, dst3d, zrows, out, sidx, didx, buf, acc, sem):
        cid = lax.axis_index("c")
        sid = lax.axis_index("s")
        wid = sid * NC + cid
        pltpu.sync_copy(zrows, acc.at[pl.ds(sid * WCHUNK, WCHUNK)])
        plsc.subcore_barrier()

        def body(j, carry):
            bid = wid + NW * j

            @pl.when(bid < NBLK)
            def _():
                pltpu.sync_copy(dst3d.at[bid, 0], didx)
                if gather:
                    pltpu.sync_copy(src3d.at[bid, 0], sidx)
                    pltpu.async_copy(vals.at[sidx], buf, sem).wait()
                else:
                    pltpu.sync_copy(vals.at[pl.ds(bid * EB, EB)], buf)
                pltpu.sync_copy(buf, acc.at[didx], add=True)

            return carry

        lax.fori_loop(0, JMAX, body, 0)

        plsc.subcore_barrier()
        pltpu.sync_copy(acc.at[pl.ds(sid * WCHUNK, WCHUNK)],
                        out.at[cid, pl.ds(sid * WCHUNK, WCHUNK)])

    return k



def _stats_body(x_ref, o_ref):
    i = pl.program_id(0)
    rows = lax.broadcasted_iota(jnp.int32, (BLK, 1), 0) + i * BLK
    xb = jnp.where(rows < N, x_ref[...], 0.0)
    contrib = jnp.concatenate(
        [jnp.sum(xb, axis=0, keepdims=True),
         jnp.sum(xb * xb, axis=0, keepdims=True)], axis=0)

    @pl.when(i == 0)
    def _():
        o_ref[...] = jnp.zeros_like(o_ref)

    o_ref[...] += contrib


def _stats(x):
    D = x.shape[1]
    return pl.pallas_call(
        _stats_body,
        grid=(NG,),
        in_specs=[pl.BlockSpec((BLK, D), lambda i: (i, 0))],
        out_specs=pl.BlockSpec((2, D), lambda i: (0, 0)),
        out_shape=jax.ShapeDtypeStruct((2, D), jnp.float32),
    )(x)


def _expert_body(Din, Dout, nx, nh, no, *refs):
    x_refs = refs[:nx]
    agg_refs = refs[nx:nx + nh]
    (agge_ref, stats_ref, g_ref, b_ref, wg_ref, wall_ref, bbf_ref) = \
        refs[nx + nh:nx + nh + 7]
    out_refs = refs[nx + nh + 7:nx + nh + 7 + no]
    (topi_ref, imp_ref, loss_ref, st2_ref) = refs[nx + nh + 7 + no:]
    i = pl.program_id(0)
    rows = lax.broadcasted_iota(jnp.int32, (BLK, 1), 0) + i * BLK
    valid = rows < N

    m = stats_ref[0:1, :] / N
    var = stats_ref[1:2, :] / N - m * m
    A = g_ref[...] / jnp.sqrt(var + 1e-5)
    B = b_ref[...] - m * A

    if nx == 1:
        xraw = x_refs[0][...]
    else:
        xraw = jnp.concatenate([r[...] for r in x_refs], axis=1)
    xb = jnp.where(valid, xraw, 0.0)
    h = xb * A + B

    if nh == 1:
        aggr = agg_refs[0][0] + agg_refs[0][1]
    else:
        aggr = jnp.concatenate([agg_refs[0][0] + agg_refs[0][1],
                                agg_refs[1][0] + agg_refs[1][1]], axis=1)
    aggr = jnp.where(valid, aggr, 0.0)
    e32 = jnp.where(valid, agge_ref[0] + agge_ref[1], 0.0)
    agge = e32[:, :DE]
    deg = e32[:, DE:DE + 1]
    aggx = aggr * A + deg * B

    logits = jnp.dot(h, wg_ref[...], preferred_element_type=jnp.float32)
    iota8 = lax.broadcasted_iota(jnp.int32, (BLK, NE), 1)
    v1 = jnp.max(logits, axis=1, keepdims=True)
    i1 = jnp.min(jnp.where(logits == v1, iota8, NE), axis=1, keepdims=True)
    masked = jnp.where(iota8 == i1, -jnp.inf, logits)
    v2 = jnp.max(masked, axis=1, keepdims=True)
    i2 = jnp.min(jnp.where(masked == v2, iota8, NE), axis=1, keepdims=True)
    gv1 = 1.0 / (1.0 + jnp.exp(v2 - v1))
    gv2 = 1.0 - gv1
    topi_ref[...] = jnp.concatenate([i1, i2], axis=1)
    gd = jnp.where(iota8 == i1, gv1, 0.0) + jnp.where(iota8 == i2, gv2, 0.0)
    gd = jnp.where(valid, gd, 0.0)

    @pl.when(i == 0)
    def _():
        imp_ref[...] = jnp.zeros_like(imp_ref)
        st2_ref[...] = jnp.zeros_like(st2_ref)

    imp_ref[...] += jnp.sum(gd, axis=0, keepdims=True)

    z = jnp.concatenate([h, aggx, agge], axis=1)
    big = jnp.dot(z, wall_ref[...], preferred_element_type=jnp.float32)
    big = jnp.maximum(big + bbf_ref[...], 0.0)
    big = big.astype(jnp.bfloat16).astype(jnp.float32)
    gdt = gd.astype(jnp.bfloat16).astype(jnp.float32)
    acc = jnp.zeros((BLK, Dout), jnp.float32)
    for e in range(NE):
        acc = acc + gdt[:, e:e + 1] * big[:, e * Dout:(e + 1) * Dout]
    if no == 1:
        out_refs[0][...] = acc
    else:
        for q in range(no):
            out_refs[q][...] = acc[:, q * 128:(q + 1) * 128]

    st2_ref[...] += jnp.concatenate(
        [jnp.sum(acc, axis=0, keepdims=True),
         jnp.sum(acc * acc, axis=0, keepdims=True)], axis=0)

    @pl.when(i == NG - 1)
    def _():
        imp = imp_ref[...]
        mi = jnp.sum(imp) / NE
        vi = jnp.sum((imp - mi) ** 2) / NE
        loss_ref[...] = (vi / (mi * mi + 1e-10)).reshape(1, 1)


def _expert_layer(xs, aggs, agge, stats, g, b, Wg, Wall, bbf,
                  Din, Dout, no=1):
    Z = 2 * Din + DE
    nx = len(xs)
    nh = len(aggs)
    body = functools.partial(_expert_body, Din, Dout, nx, nh, no)

    def _part_spec():
        return pl.BlockSpec((NC, BLK, 128), lambda i: (0, i, 0))

    if no == 1:
        o_specs = [pl.BlockSpec((BLK, Dout), lambda i: (i, 0))]
        o_shapes = [jax.ShapeDtypeStruct((N, Dout), jnp.float32)]
    else:
        o_specs = [pl.BlockSpec((BLK, 128), lambda i: (i, 0))] * no
        o_shapes = [jax.ShapeDtypeStruct((N, 128), jnp.float32)] * no

    return pl.pallas_call(
        body,
        grid=(NG,),
        in_specs=[
            *[pl.BlockSpec((BLK, Din // nx), lambda i: (i, 0))
              for _ in xs],
            *[_part_spec() for _ in aggs],
            _part_spec(),
            pl.BlockSpec((2, Din), lambda i: (0, 0)),
            pl.BlockSpec((1, Din), lambda i: (0, 0)),
            pl.BlockSpec((1, Din), lambda i: (0, 0)),
            pl.BlockSpec((Din, NE), lambda i: (0, 0)),
            pl.BlockSpec((Z, NE * Dout), lambda i: (0, 0)),
            pl.BlockSpec((1, NE * Dout), lambda i: (0, 0)),
        ],
        out_specs=[
            *o_specs,
            pl.BlockSpec((BLK, 2), lambda i: (i, 0)),
            pl.BlockSpec((1, NE), lambda i: (0, 0)),
            pl.BlockSpec((1, 1), lambda i: (0, 0)),
            pl.BlockSpec((2, Dout), lambda i: (0, 0)),
        ],
        out_shape=[
            *o_shapes,
            jax.ShapeDtypeStruct((N, 2), jnp.int32),
            jax.ShapeDtypeStruct((1, NE), jnp.float32),
            jax.ShapeDtypeStruct((1, 1), jnp.float32),
            jax.ShapeDtypeStruct((2, Dout), jnp.float32),
        ],
    )(*xs, *aggs, agge, stats, g, b, Wg, Wall, bbf)


def _pack_weights(Ws, Wm, We, bb):
    W8 = jnp.concatenate([Ws, Wm, We], axis=1)
    Z = W8.shape[1]
    Dout = W8.shape[2]
    Wall = jnp.transpose(W8, (1, 0, 2)).reshape(Z, NE * Dout)
    return Wall, bb.reshape(1, NE * Dout)


def kernel(x, edge_index, edge_attr, g1, b1, g2, b2,
           Wg1, Ws1, Wm1, We1, bb1, Wg2, Ws2, Wm2, We2, bb2):
    src3d = edge_index[0].reshape(NBLK, 1, EB)
    dst3d = edge_index[1].reshape(NBLK, 1, EB)
    ea128 = jnp.concatenate(
        [edge_attr, jnp.ones((E, 1), jnp.float32),
         jnp.zeros((E, 128 - DE - 1), jnp.float32)], axis=1)
    z128 = jnp.zeros((WCHUNK, 128), jnp.float32)

    aggE = _make_scpass(False)(ea128, src3d, dst3d, z128)
    aggX = _make_scpass(True)(x, src3d, dst3d, z128)
    stats1 = _stats(x)

    Wall1, bbf1 = _pack_weights(Ws1, Wm1, We1, bb1)
    h2a, h2b, e1, imp1, l1, st2 = _expert_layer(
        [x], [aggX], aggE, stats1,
        g1.reshape(1, IN), b1.reshape(1, IN), Wg1, Wall1, bbf1,
        IN, HID, no=2)
    del imp1

    aggB0 = _make_scpass(True)(h2a, src3d, dst3d, z128)
    aggB1 = _make_scpass(True)(h2b, src3d, dst3d, z128)

    Wall2, bbf2 = _pack_weights(Ws2, Wm2, We2, bb2)
    out, e2, imp2, l2, _ = _expert_layer(
        [h2a, h2b], [aggB0, aggB1], aggE, st2,
        g2.reshape(1, HID), b2.reshape(1, HID), Wg2, Wall2, bbf2, HID, OUT)
    del imp2

    losses = jnp.stack([l1[0, 0], l2[0, 0]])
    return out, e1, e2, losses

# --- scband reference (transcript-rebuilt; emitter-appended) ---
"""Pipeline reference for scband-hgmo-e-13159779795200 (READ-ONLY COPY).

The authoritative reference and input builder live on the scoring server;
editing this copy changes nothing except your own understanding.
"""

import jax, jax.numpy as jnp
import numpy as np

N = 10000
E = 160000
IN = 128
HID = 256
OUT = 128
DE = 16
NE = 8
K = 2


def _bn(x, g, b):
    m = jnp.mean(x, axis=0)
    v = jnp.var(x, axis=0)
    return (x - m) / jnp.sqrt(v + 1e-5) * g + b


def _cv_squared(x):
    return jnp.var(x) / (jnp.mean(x) ** 2 + 1e-10)


def _ea(x, src, dst, edge_attr, Wg, Ws, Wm, We, bb, k):
    # noisy-top-k gated mixture of graph-conv experts (eval mode: clean logits)
    n = x.shape[0]
    logits = x @ Wg                              # [n, NE]
    topv, topi = jax.lax.top_k(logits, k)        # [n, k]
    gates_k = jax.nn.softmax(topv, axis=-1)      # [n, k]
    gates = jnp.zeros_like(logits).at[jnp.arange(n)[:, None], topi].set(gates_k)  # [n, NE]
    # message passing: aggregate neighbor features and edge attrs by dst
    agg_x = jax.ops.segment_sum(x[src], dst, num_segments=n)           # [n, in]
    agg_e = jax.ops.segment_sum(edge_attr, dst, num_segments=n)       # [n, de]
    # dense per-expert graph-conv: self transform + aggregated msg transform + edge transform
    eo = (jnp.einsum('ni,eio->eno', x, Ws)
          + jnp.einsum('ni,eio->eno', agg_x, Wm)
          + jnp.einsum('nd,edo->eno', agg_e, We)
          + bb[:, None, :])                       # [NE, n, out]
    eo = jax.nn.relu(eo)
    out = jnp.einsum('ne,eno->no', gates, eo)     # [n, out]
    importance = gates.sum(axis=0)
    loss = _cv_squared(importance)
    return out, topi, loss


def setup_inputs(seed: int = 0) -> dict:
    key = jax.random.key(seed)
    ks = jax.random.split(key, 16)
    inp = {}
    inp['x'] = jax.random.normal(ks[0], (N, IN), dtype=jnp.float32)
    inp['edge_index'] = jax.random.randint(ks[1], (2, E), 0, N, dtype=jnp.int32)
    inp['edge_attr'] = jax.random.normal(ks[2], (E, DE), dtype=jnp.float32)
    # batch norm params
    inp['g1'] = jnp.ones((IN,), jnp.float32)
    inp['b1'] = jnp.zeros((IN,), jnp.float32)
    inp['g2'] = jnp.ones((HID,), jnp.float32)
    inp['b2'] = jnp.zeros((HID,), jnp.float32)
    # EA layer 1 (IN -> HID)
    inp['Wg1'] = jax.random.normal(ks[3], (IN, NE), jnp.float32) * 0.05
    inp['Ws1'] = jax.random.normal(ks[4], (NE, IN, HID), jnp.float32) * 0.05
    inp['Wm1'] = jax.random.normal(ks[5], (NE, IN, HID), jnp.float32) * 0.05
    inp['We1'] = jax.random.normal(ks[6], (NE, DE, HID), jnp.float32) * 0.05
    inp['bb1'] = jnp.zeros((NE, HID), jnp.float32)
    # EA layer 2 (HID -> OUT)
    inp['Wg2'] = jax.random.normal(ks[7], (HID, NE), jnp.float32) * 0.05
    inp['Ws2'] = jax.random.normal(ks[8], (NE, HID, OUT), jnp.float32) * 0.05
    inp['Wm2'] = jax.random.normal(ks[9], (NE, HID, OUT), jnp.float32) * 0.05
    inp['We2'] = jax.random.normal(ks[10], (NE, DE, OUT), jnp.float32) * 0.05
    inp['bb2'] = jnp.zeros((NE, OUT), jnp.float32)
    return inp


def reference(x, edge_index, edge_attr, g1, b1, g2, b2,
              Wg1, Ws1, Wm1, We1, bb1, Wg2, Ws2, Wm2, We2, bb2):
    src = edge_index[0]
    dst = edge_index[1]
    h = _bn(x, g1, b1)
    h, e1, l1 = _ea(h, src, dst, edge_attr, Wg1, Ws1, Wm1, We1, bb1, K)
    h = _bn(h, g2, b2)
    out, e2, l2 = _ea(h, src, dst, edge_attr, Wg2, Ws2, Wm2, We2, bb2, K)
    # dropout is identity in eval mode
    return out, e1, e2, jnp.stack([l1, l2])

if __name__ == "__main__":
    import jax
    _d = setup_inputs()
    print(jax.jit(kernel)(*tuple(_d.values())))

</pallas_src>

<mosaic_0001>
#map = affine_map<(d0, d1) -> (0, 0)>
#map1 = affine_map<(d0, d1) -> (0, 0, 0)>
module attributes {stable_mosaic.version = 14 : i64} {
  func.func @k(%arg0: i32, %arg1: i32, %arg2: memref<10000x128xf32, #tpu.memory_space<hbm>>, %arg3: memref<1250x1x128xi32, #tpu.memory_space<hbm>>, %arg4: memref<1250x1x128xi32, #tpu.memory_space<hbm>>, %arg5: memref<632x128xf32, #tpu.memory_space<hbm>>, %arg6: memref<2x10112x128xf32, #tpu.memory_space<hbm>>, %arg7: memref<128xi32, #tpu.memory_space<vmem>>, %arg8: memref<128xi32, #tpu.memory_space<vmem>>, %arg9: memref<128x128xf32, #tpu.memory_space<vmem>>, %arg10: memref<10112x128xf32, #tpu.memory_space<vmem_shared>>, %arg11: memref<!tpu.dma_semaphore, #tpu.memory_space<semaphore_mem>>) attributes {dimension_semantics = [#tpu.dimension_semantics<core_parallel>, #tpu.dimension_semantics<subcore_parallel>], iteration_bounds = array<i64: 2, 16>, scalar_prefetch = 0 : i64, scratch_operands = 5 : i64, tpu.core_type = #tpu.core_type<sc_vector_subcore>, window_params = [{transform_indices = #map}, {transform_indices = #map1}, {transform_indices = #map1}, {transform_indices = #map}, {transform_indices = #map1}]} {
    %mul3A = arith.constant 2 : i32
    %mul3A_0 = arith.muli %arg1, %mul3A : i32
    %add3A = arith.addi %mul3A_0, %arg0 : i32
    %mul3A_1 = arith.constant 632 : i32
    %mul3A_2 = arith.muli %arg1, %mul3A_1 : i32
    "tpu.region"() ({
      %run_scoped3A = tpu.sem_alloc : memref<!tpu.dma_semaphore, #tpu.memory_space<semaphore_mem>>
      %dma_start3A = arith.constant 0 : i32
      %dma_start3A_13 = tpu.memref_slice %arg10[%mul3A_2, %dma_start3A] : memref<10112x128xf32, #tpu.memory_space<vmem_shared>> -> memref<632x128xf32, #tpu.memory_space<vmem_shared>>
      tpu.enqueue_dma source(%arg5 : memref<632x128xf32, #tpu.memory_space<hbm>>) target(%dma_start3A_13 : memref<632x128xf32, #tpu.memory_space<vmem_shared>>) target_semaphore(%run_scoped3A : memref<!tpu.dma_semaphore, #tpu.memory_space<semaphore_mem>>)
      %dma_wait3A = arith.constant 0 : i32
      %dma_wait3A_14 = tpu.memref_slice %arg10[%mul3A_2, %dma_wait3A] : memref<10112x128xf32, #tpu.memory_space<vmem_shared>> -> memref<632x128xf32, #tpu.memory_space<vmem_shared>>
      tpu.wait_dma2 semaphore(%run_scoped3A : memref<!tpu.dma_semaphore, #tpu.memory_space<semaphore_mem>>) src(%arg5 : memref<632x128xf32, #tpu.memory_space<hbm>>) dst(%dma_wait3A_14 : memref<632x128xf32, #tpu.memory_space<vmem_shared>>)
      tpu.yield
    }) : () -> ()
    %barrier3A = arith.constant 0 : index
    tpu.barrier barrier_id(%barrier3A)
    %scan3A = arith.constant 0 : i32
    %scan3A_3 = arith.constant 0 : i32
    %scan3A_4 = arith.constant 40 : i32
    %scan3A_5 = arith.addi %scan3A_3, %scan3A_4 : i32
    %scan3A_6 = arith.constant 1 : i32
    scf.for %scan3A_13 = %scan3A_3 to %scan3A_5 step %scan3A_6  : i32 {
      %mul3A_14 = arith.constant 32 : i32
      %mul3A_15 = arith.muli %mul3A_14, %scan3A_13 : i32
      %add3A_16 = arith.addi %add3A, %mul3A_15 : i32
      %lt3A = arith.constant 1250 : i32
      %lt3A_17 = arith.cmpi slt, %add3A_16, %lt3A : i32
      %convert_element_type3A = arith.extui %lt3A_17 : i1 to i32
      %cond3A = arith.constant 0 : i32
      %cond3A_18 = arith.cmpi ne, %convert_element_type3A, %cond3A : i32
      scf.if %cond3A_18 {
        %run_scoped3A = arith.constant 0 : i32
        "tpu.region"() ({
          %run_scoped3A_24 = tpu.sem_alloc : memref<!tpu.dma_semaphore, #tpu.memory_space<semaphore_mem>>
          %dma_start3A_25 = arith.constant 0 : i32
          %dma_start3A_26 = tpu.memref_slice %arg4[%add3A_16, %run_scoped3A, %dma_start3A_25] : memref<1250x1x128xi32, #tpu.memory_space<hbm>> -> memref<1x1x128xi32, #tpu.memory_space<hbm>>
          %dma_start3A_27 = tpu.memref_squeeze %dma_start3A_26 : memref<1x1x128xi32, #tpu.memory_space<hbm>> -> memref<128xi32, #tpu.memory_space<hbm>>
          %dma_start3A_28 = arith.constant 0 : i32
          %dma_start3A_29 = tpu.memref_slice %arg4[%add3A_16, %run_scoped3A, %dma_start3A_28] : memref<1250x1x128xi32, #tpu.memory_space<hbm>> -> memref<1x1x128xi32, #tpu.memory_space<hbm>>
          %dma_start3A_30 = tpu.memref_squeeze %dma_start3A_29 : memref<1x1x128xi32, #tpu.memory_space<hbm>> -> memref<128xi32, #tpu.memory_space<hbm>>
          tpu.enqueue_dma source(%dma_start3A_30 : memref<128xi32, #tpu.memory_space<hbm>>) target(%arg8 : memref<128xi32, #tpu.memory_space<vmem>>) target_semaphore(%run_scoped3A_24 : memref<!tpu.dma_semaphore, #tpu.memory_space<semaphore_mem>>)
          %dma_wait3A_31 = arith.constant 0 : i32
          %dma_wait3A_32 = tpu.memref_slice %arg4[%add3A_16, %run_scoped3A, %dma_wait3A_31] : memref<1250x1x128xi32, #tpu.memory_space<hbm>> -> memref<1x1x128xi32, #tpu.memory_space<hbm>>
          %dma_wait3A_33 = tpu.memref_squeeze %dma_wait3A_32 : memref<1x1x128xi32, #tpu.memory_space<hbm>> -> memref<128xi32, #tpu.memory_space<hbm>>
          %dma_wait3A_34 = arith.constant 0 : i32
          %dma_wait3A_35 = tpu.memref_slice %arg4[%add3A_16, %run_scoped3A, %dma_wait3A_34] : memref<1250x1x128xi32, #tpu.memory_space<hbm>> -> memref<1x1x128xi32, #tpu.memory_space<hbm>>
          %dma_wait3A_36 = tpu.memref_squeeze %dma_wait3A_35 : memref<1x1x128xi32, #tpu.memory_space<hbm>> -> memref<128xi32, #tpu.memory_space<hbm>>
          tpu.wait_dma2 semaphore(%run_scoped3A_24 : memref<!tpu.dma_semaphore, #tpu.memory_space<semaphore_mem>>) src(%dma_wait3A_36 : memref<128xi32, #tpu.memory_space<hbm>>) dst(%arg8 : memref<128xi32, #tpu.memory_space<vmem>>)
          tpu.yield
        }) : () -> ()
        %run_scoped3A_19 = arith.constant 0 : i32
        "tpu.region"() ({
          %run_scoped3A_24 = tpu.sem_alloc : memref<!tpu.dma_semaphore, #tpu.memory_space<semaphore_mem>>
          %dma_start3A_25 = arith.constant 0 : i32
          %dma_start3A_26 = tpu.memref_slice %arg3[%add3A_16, %run_scoped3A_19, %dma_start3A_25] : memref<1250x1x128xi32, #tpu.memory_space<hbm>> -> memref<1x1x128xi32, #tpu.memory_space<hbm>>
          %dma_start3A_27 = tpu.memref_squeeze %dma_start3A_26 : memref<1x1x128xi32, #tpu.memory_space<hbm>> -> memref<128xi32, #tpu.memory_space<hbm>>
          %dma_start3A_28 = arith.constant 0 : i32
          %dma_start3A_29 = tpu.memref_slice %arg3[%add3A_16, %run_scoped3A_19, %dma_start3A_28] : memref<1250x1x128xi32, #tpu.memory_space<hbm>> -> memref<1x1x128xi32, #tpu.memory_space<hbm>>
          %dma_start3A_30 = tpu.memref_squeeze %dma_start3A_29 : memref<1x1x128xi32, #tpu.memory_space<hbm>> -> memref<128xi32, #tpu.memory_space<hbm>>
          tpu.enqueue_dma source(%dma_start3A_30 : memref<128xi32, #tpu.memory_space<hbm>>) target(%arg7 : memref<128xi32, #tpu.memory_space<vmem>>) target_semaphore(%run_scoped3A_24 : memref<!tpu.dma_semaphore, #tpu.memory_space<semaphore_mem>>)
          %dma_wait3A_31 = arith.constant 0 : i32
          %dma_wait3A_32 = tpu.memref_slice %arg3[%add3A_16, %run_scoped3A_19, %dma_wait3A_31] : memref<1250x1x128xi32, #tpu.memory_space<hbm>> -> memref<1x1x128xi32, #tpu.memory_space<hbm>>
          %dma_wait3A_33 = tpu.memref_squeeze %dma_wait3A_32 : memref<1x1x128xi32, #tpu.memory_space<hbm>> -> memref<128xi32, #tpu.memory_space<hbm>>
          %dma_wait3A_34 = arith.constant 0 : i32
          %dma_wait3A_35 = tpu.memref_slice %arg3[%add3A_16, %run_scoped3A_19, %dma_wait3A_34] : memref<1250x1x128xi32, #tpu.memory_space<hbm>> -> memref<1x1x128xi32, #tpu.memory_space<hbm>>
          %dma_wait3A_36 = tpu.memref_squeeze %dma_wait3A_35 : memref<1x1x128xi32, #tpu.memory_space<hbm>> -> memref<128xi32, #tpu.memory_space<hbm>>
          tpu.wait_dma2 semaphore(%run_scoped3A_24 : memref<!tpu.dma_semaphore, #tpu.memory_space<semaphore_mem>>) src(%dma_wait3A_36 : memref<128xi32, #tpu.memory_space<hbm>>) dst(%arg7 : memref<128xi32, #tpu.memory_space<vmem>>)
          tpu.yield
        }) : () -> ()
        %dma_start3A = arith.constant 0 : i32
        %dma_start3A_20 = arith.constant 0 : i32
        %dma_start3A_21 = tpu.memref_slice %arg2[%dma_start3A, %dma_start3A_20] : memref<10000x128xf32, #tpu.memory_space<hbm>> -> memref<10000x128xf32, #tpu.memory_space<hbm>>
        tpu.enqueue_indirect_dma source(%dma_start3A_21 : memref<10000x128xf32, #tpu.memory_space<hbm>>) target(%arg9 : memref<128x128xf32, #tpu.memory_space<vmem>>) offsets(%arg7 : memref<128xi32, #tpu.memory_space<vmem>>) semaphore(%arg11 : memref<!tpu.dma_semaphore, #tpu.memory_space<semaphore_mem>>)
        %dma_wait3A = arith.constant 0 : i32
        %dma_wait3A_22 = arith.constant 0 : i32
        %dma_wait3A_23 = tpu.memref_slice %arg2[%dma_wait3A, %dma_wait3A_22] : memref<10000x128xf32, #tpu.memory_space<hbm>> -> memref<10000x128xf32, #tpu.memory_space<hbm>>
        tpu.wait_indirect_dma semaphore(%arg11 : memref<!tpu.dma_semaphore, #tpu.memory_space<semaphore_mem>>) src(%dma_wait3A_23 : memref<10000x128xf32, #tpu.memory_space<hbm>>) dst(%arg9 : memref<128x128xf32, #tpu.memory_space<vmem>>)
        "tpu.region"() ({
          %run_scoped3A_24 = tpu.sem_alloc : memref<!tpu.dma_semaphore, #tpu.memory_space<semaphore_mem>>
          %dma_start3A_25 = arith.constant 0 : i32
          %dma_start3A_26 = arith.constant 0 : i32
          %dma_start3A_27 = tpu.memref_slice %arg10[%dma_start3A_25, %dma_start3A_26] : memref<10112x128xf32, #tpu.memory_space<vmem_shared>> -> memref<10112x128xf32, #tpu.memory_space<vmem_shared>>
          tpu.enqueue_indirect_dma source(%arg9 : memref<128x128xf32, #tpu.memory_space<vmem>>) target(%dma_start3A_27 : memref<10112x128xf32, #tpu.memory_space<vmem_shared>>) offsets(%arg8 : memref<128xi32, #tpu.memory_space<vmem>>) semaphore(%run_scoped3A_24 : memref<!tpu.dma_semaphore, #tpu.memory_space<semaphore_mem>>) {add = true}
          %dma_wait3A_28 = arith.constant 0 : i32
          %dma_wait3A_29 = arith.constant 0 : i32
          %dma_wait3A_30 = tpu.memref_slice %arg10[%dma_wait3A_28, %dma_wait3A_29] : memref<10112x128xf32, #tpu.memory_space<vmem_shared>> -> memref<10112x128xf32, #tpu.memory_space<vmem_shared>>
          tpu.wait_indirect_dma semaphore(%run_scoped3A_24 : memref<!tpu.dma_semaphore, #tpu.memory_space<semaphore_mem>>) src(%arg9 : memref<128x128xf32, #tpu.memory_space<vmem>>) dst(%dma_wait3A_30 : memref<10112x128xf32, #tpu.memory_space<vmem_shared>>)
          tpu.yield
        }) : () -> ()
      } else {
      }
    }
    %scan3A_7 = arith.constant 40 : i32
    %barrier3A_8 = arith.constant 0 : index
    tpu.barrier barrier_id(%barrier3A_8)
    %mul3A_9 = arith.constant 632 : i32
    %mul3A_10 = arith.muli %arg1, %mul3A_9 : i32
    %mul3A_11 = arith.constant 632 : i32
    %mul3A_12 = arith.muli %arg1, %mul3A_11 : i32
    "tpu.region"() ({
      %run_scoped3A = tpu.sem_alloc : memref<!tpu.dma_semaphore, #tpu.memory_space<semaphore_mem>>
      %dma_start3A = arith.constant 0 : i32
      %dma_start3A_13 = tpu.memref_slice %arg6[%arg0, %mul3A_12, %dma_start3A] : memref<2x10112x128xf32, #tpu.memory_space<hbm>> -> memref<1x632x128xf32, #tpu.memory_space<hbm>>
      %dma_start3A_14 = tpu.memref_squeeze %dma_start3A_13 : memref<1x632x128xf32, #tpu.memory_space<hbm>> -> memref<632x128xf32, #tpu.memory_space<hbm>>
      %dma_start3A_15 = arith.constant 0 : i32
      %dma_start3A_16 = tpu.memref_slice %arg10[%mul3A_10, %dma_start3A_15] : memref<10112x128xf32, #tpu.memory_space<vmem_shared>> -> memref<632x128xf32, #tpu.memory_space<vmem_shared>>
      tpu.enqueue_dma source(%dma_start3A_16 : memref<632x128xf32, #tpu.memory_space<vmem_shared>>) target(%dma_start3A_14 : memref<632x128xf32, #tpu.memory_space<hbm>>) target_semaphore(%run_scoped3A : memref<!tpu.dma_semaphore, #tpu.memory_space<semaphore_mem>>)
      %dma_wait3A = arith.constant 0 : i32
      %dma_wait3A_17 = tpu.memref_slice %arg6[%arg0, %mul3A_12, %dma_wait3A] : memref<2x10112x128xf32, #tpu.memory_space<hbm>> -> memref<1x632x128xf32, #tpu.memory_space<hbm>>
      %dma_wait3A_18 = tpu.memref_squeeze %dma_wait3A_17 : memref<1x632x128xf32, #tpu.memory_space<hbm>> -> memref<632x128xf32, #tpu.memory_space<hbm>>
      %dma_wait3A_19 = arith.constant 0 : i32
      %dma_wait3A_20 = tpu.memref_slice %arg10[%mul3A_10, %dma_wait3A_19] : memref<10112x128xf32, #tpu.memory_space<vmem_shared>> -> memref<632x128xf32, #tpu.memory_space<vmem_shared>>
      tpu.wait_dma2 semaphore(%run_scoped3A : memref<!tpu.dma_semaphore, #tpu.memory_space<semaphore_mem>>) src(%dma_wait3A_20 : memref<632x128xf32, #tpu.memory_space<vmem_shared>>) dst(%dma_wait3A_18 : memref<632x128xf32, #tpu.memory_space<hbm>>)
      tpu.yield
    }) : () -> ()
    return
  }
}

#map = affine_map<(d0, d1) -> (0, 0)>
#map1 = affine_map<(d0, d1) -> (0, 0, 0)>
module attributes {stable_mosaic.version = 14 : i64} {
  func.func @k(%arg0: i32, %arg1: i32, %arg2: memref<10000x128xf32, #tpu.memory_space<hbm>>, %arg3: memref<1250x1x128xi32, #tpu.memory_space<hbm>>, %arg4: memref<1250x1x128xi32, #tpu.memory_space<hbm>>, %arg5: memref<632x128xf32, #tpu.memory_space<hbm>>, %arg6: memref<2x10112x128xf32, #tpu.memory_space<hbm>>, %arg7: memref<128xi32, #tpu.memory_space<vmem>>, %arg8: memref<128xi32, #tpu.memory_space<vmem>>, %arg9: memref<128x128xf32, #tpu.memory_space<vmem>>, %arg10: memref<10112x128xf32, #tpu.memory_space<vmem_shared>>, %arg11: memref<!tpu.dma_semaphore, #tpu.memory_space<semaphore_mem>>) attributes {dimension_semantics = [#tpu.dimension_semantics<core_parallel>, #tpu.dimension_semantics<subcore_parallel>], iteration_bounds = array<i64: 2, 16>, scalar_prefetch = 0 : i64, scratch_operands = 5 : i64, tpu.core_type = #tpu.core_type<sc_vector_subcore>, window_params = [{transform_indices = #map}, {transform_indices = #map1}, {transform_indices = #map1}, {transform_indices = #map}, {transform_indices = #map1}]} {
    %mul3A = arith.constant 2 : i32
    %mul3A_0 = arith.muli %arg1, %mul3A : i32
    %add3A = arith.addi %mul3A_0, %arg0 : i32
    %mul3A_1 = arith.constant 632 : i32
    %mul3A_2 = arith.muli %arg1, %mul3A_1 : i32
    "tpu.region"() ({
      %run_scoped3A = tpu.sem_alloc : memref<!tpu.dma_semaphore, #tpu.memory_space<semaphore_mem>>
      %dma_start3A = arith.constant 0 : i32
      %dma_start3A_13 = tpu.memref_slice %arg10[%mul3A_2, %dma_start3A] : memref<10112x128xf32, #tpu.memory_space<vmem_shared>> -> memref<632x128xf32, #tpu.memory_space<vmem_shared>>
      tpu.enqueue_dma source(%arg5 : memref<632x128xf32, #tpu.memory_space<hbm>>) target(%dma_start3A_13 : memref<632x128xf32, #tpu.memory_space<vmem_shared>>) target_semaphore(%run_scoped3A : memref<!tpu.dma_semaphore, #tpu.memory_space<semaphore_mem>>)
      %dma_wait3A = arith.constant 0 : i32
      %dma_wait3A_14 = tpu.memref_slice %arg10[%mul3A_2, %dma_wait3A] : memref<10112x128xf32, #tpu.memory_space<vmem_shared>> -> memref<632x128xf32, #tpu.memory_space<vmem_shared>>
      tpu.wait_dma2 semaphore(%run_scoped3A : memref<!tpu.dma_semaphore, #tpu.memory_space<semaphore_mem>>) src(%arg5 : memref<632x128xf32, #tpu.memory_space<hbm>>) dst(%dma_wait3A_14 : memref<632x128xf32, #tpu.memory_space<vmem_shared>>)
      tpu.yield
    }) : () -> ()
    %barrier3A = arith.constant 0 : index
    tpu.barrier barrier_id(%barrier3A)
    %scan3A = arith.constant 0 : i32
    %scan3A_3 = arith.constant 0 : i32
    %scan3A_4 = arith.constant 40 : i32
    %scan3A_5 = arith.addi %scan3A_3, %scan3A_4 : i32
    %scan3A_6 = arith.constant 1 : i32
    scf.for %scan3A_13 = %scan3A_3 to %scan3A_5 step %scan3A_6  : i32 {
      %mul3A_14 = arith.constant 32 : i32
      %mul3A_15 = arith.muli %mul3A_14, %scan3A_13 : i32
      %add3A_16 = arith.addi %add3A, %mul3A_15 : i32
      %lt3A = arith.constant 1250 : i32
      %lt3A_17 = arith.cmpi slt, %add3A_16, %lt3A : i32
      %convert_element_type3A = arith.extui %lt3A_17 : i1 to i32
      %cond3A = arith.constant 0 : i32
      %cond3A_18 = arith.cmpi ne, %convert_element_type3A, %cond3A : i32
      scf.if %cond3A_18 {
        %run_scoped3A = arith.constant 0 : i32
        "tpu.region"() ({
          %run_scoped3A_24 = tpu.sem_alloc : memref<!tpu.dma_semaphore, #tpu.memory_space<semaphore_mem>>
          %dma_start3A_25 = arith.constant 0 : i32
          %dma_start3A_26 = tpu.memref_slice %arg4[%add3A_16, %run_scoped3A, %dma_start3A_25] : memref<1250x1x128xi32, #tpu.memory_space<hbm>> -> memref<1x1x128xi32, #tpu.memory_space<hbm>>
          %dma_start3A_27 = tpu.memref_squeeze %dma_start3A_26 : memref<1x1x128xi32, #tpu.memory_space<hbm>> -> memref<128xi32, #tpu.memory_space<hbm>>
          %dma_start3A_28 = arith.constant 0 : i32
          %dma_start3A_29 = tpu.memref_slice %arg4[%add3A_16, %run_scoped3A, %dma_start3A_28] : memref<1250x1x128xi32, #tpu.memory_space<hbm>> -> memref<1x1x128xi32, #tpu.memory_space<hbm>>
          %dma_start3A_30 = tpu.memref_squeeze %dma_start3A_29 : memref<1x1x128xi32, #tpu.memory_space<hbm>> -> memref<128xi32, #tpu.memory_space<hbm>>
          tpu.enqueue_dma source(%dma_start3A_30 : memref<128xi32, #tpu.memory_space<hbm>>) target(%arg8 : memref<128xi32, #tpu.memory_space<vmem>>) target_semaphore(%run_scoped3A_24 : memref<!tpu.dma_semaphore, #tpu.memory_space<semaphore_mem>>)
          %dma_wait3A_31 = arith.constant 0 : i32
          %dma_wait3A_32 = tpu.memref_slice %arg4[%add3A_16, %run_scoped3A, %dma_wait3A_31] : memref<1250x1x128xi32, #tpu.memory_space<hbm>> -> memref<1x1x128xi32, #tpu.memory_space<hbm>>
          %dma_wait3A_33 = tpu.memref_squeeze %dma_wait3A_32 : memref<1x1x128xi32, #tpu.memory_space<hbm>> -> memref<128xi32, #tpu.memory_space<hbm>>
          %dma_wait3A_34 = arith.constant 0 : i32
          %dma_wait3A_35 = tpu.memref_slice %arg4[%add3A_16, %run_scoped3A, %dma_wait3A_34] : memref<1250x1x128xi32, #tpu.memory_space<hbm>> -> memref<1x1x128xi32, #tpu.memory_space<hbm>>
          %dma_wait3A_36 = tpu.memref_squeeze %dma_wait3A_35 : memref<1x1x128xi32, #tpu.memory_space<hbm>> -> memref<128xi32, #tpu.memory_space<hbm>>
          tpu.wait_dma2 semaphore(%run_scoped3A_24 : memref<!tpu.dma_semaphore, #tpu.memory_space<semaphore_mem>>) src(%dma_wait3A_36 : memref<128xi32, #tpu.memory_space<hbm>>) dst(%arg8 : memref<128xi32, #tpu.memory_space<vmem>>)
          tpu.yield
        }) : () -> ()
        %run_scoped3A_19 = arith.constant 0 : i32
        "tpu.region"() ({
          %run_scoped3A_24 = tpu.sem_alloc : memref<!tpu.dma_semaphore, #tpu.memory_space<semaphore_mem>>
          %dma_start3A_25 = arith.constant 0 : i32
          %dma_start3A_26 = tpu.memref_slice %arg3[%add3A_16, %run_scoped3A_19, %dma_start3A_25] : memref<1250x1x128xi32, #tpu.memory_space<hbm>> -> memref<1x1x128xi32, #tpu.memory_space<hbm>>
          %dma_start3A_27 = tpu.memref_squeeze %dma_start3A_26 : memref<1x1x128xi32, #tpu.memory_space<hbm>> -> memref<128xi32, #tpu.memory_space<hbm>>
          %dma_start3A_28 = arith.constant 0 : i32
          %dma_start3A_29 = tpu.memref_slice %arg3[%add3A_16, %run_scoped3A_19, %dma_start3A_28] : memref<1250x1x128xi32, #tpu.memory_space<hbm>> -> memref<1x1x128xi32, #tpu.memory_space<hbm>>
          %dma_start3A_30 = tpu.memref_squeeze %dma_start3A_29 : memref<1x1x128xi32, #tpu.memory_space<hbm>> -> memref<128xi32, #tpu.memory_space<hbm>>
          tpu.enqueue_dma source(%dma_start3A_30 : memref<128xi32, #tpu.memory_space<hbm>>) target(%arg7 : memref<128xi32, #tpu.memory_space<vmem>>) target_semaphore(%run_scoped3A_24 : memref<!tpu.dma_semaphore, #tpu.memory_space<semaphore_mem>>)
          %dma_wait3A_31 = arith.constant 0 : i32
          %dma_wait3A_32 = tpu.memref_slice %arg3[%add3A_16, %run_scoped3A_19, %dma_wait3A_31] : memref<1250x1x128xi32, #tpu.memory_space<hbm>> -> memref<1x1x128xi32, #tpu.memory_space<hbm>>
          %dma_wait3A_33 = tpu.memref_squeeze %dma_wait3A_32 : memref<1x1x128xi32, #tpu.memory_space<hbm>> -> memref<128xi32, #tpu.memory_space<hbm>>
          %dma_wait3A_34 = arith.constant 0 : i32
          %dma_wait3A_35 = tpu.memref_slice %arg3[%add3A_16, %run_scoped3A_19, %dma_wait3A_34] : memref<1250x1x128xi32, #tpu.memory_space<hbm>> -> memref<1x1x128xi32, #tpu.memory_space<hbm>>
          %dma_wait3A_36 = tpu.memref_squeeze %dma_wait3A_35 : memref<1x1x128xi32, #tpu.memory_space<hbm>> -> memref<128xi32, #tpu.memory_space<hbm>>
          tpu.wait_dma2 semaphore(%run_scoped3A_24 : memref<!tpu.dma_semaphore, #tpu.memory_space<semaphore_mem>>) src(%dma_wait3A_36 : memref<128xi32, #tpu.memory_space<hbm>>) dst(%arg7 : memref<128xi32, #tpu.memory_space<vmem>>)
          tpu.yield
        }) : () -> ()
        %dma_start3A = arith.constant 0 : i32
        %dma_start3A_20 = arith.constant 0 : i32
        %dma_start3A_21 = tpu.memref_slice %arg2[%dma_start3A, %dma_start3A_20] : memref<10000x128xf32, #tpu.memory_space<hbm>> -> memref<10000x128xf32, #tpu.memory_space<hbm>>
        tpu.enqueue_indirect_dma source(%dma_start3A_21 : memref<10000x128xf32, #tpu.memory_space<hbm>>) target(%arg9 : memref<128x128xf32, #tpu.memory_space<vmem>>) offsets(%arg7 : memref<128xi32, #tpu.memory_space<vmem>>) semaphore(%arg11 : memref<!tpu.dma_semaphore, #tpu.memory_space<semaphore_mem>>)
        %dma_wait3A = arith.constant 0 : i32
        %dma_wait3A_22 = arith.constant 0 : i32
        %dma_wait3A_23 = tpu.memref_slice %arg2[%dma_wait3A, %dma_wait3A_22] : memref<10000x128xf32, #tpu.memory_space<hbm>> -> memref<10000x128xf32, #tpu.memory_space<hbm>>
        tpu.wait_indirect_dma semaphore(%arg11 : memref<!tpu.dma_semaphore, #tpu.memory_space<semaphore_mem>>) src(%dma_wait3A_23 : memref<10000x128xf32, #tpu.memory_space<hbm>>) dst(%arg9 : memref<128x128xf32, #tpu.memory_space<vmem>>)
        "tpu.region"() ({
          %run_scoped3A_24 = tpu.sem_alloc : memref<!tpu.dma_semaphore, #tpu.memory_space<semaphore_mem>>
          %dma_start3A_25 = arith.constant 0 : i32
          %dma_start3A_26 = arith.constant 0 : i32
          %dma_start3A_27 = tpu.memref_slice %arg10[%dma_start3A_25, %dma_start3A_26] : memref<10112x128xf32, #tpu.memory_space<vmem_shared>> -> memref<10112x128xf32, #tpu.memory_space<vmem_shared>>
          tpu.enqueue_indirect_dma source(%arg9 : memref<128x128xf32, #tpu.memory_space<vmem>>) target(%dma_start3A_27 : memref<10112x128xf32, #tpu.memory_space<vmem_shared>>) offsets(%arg8 : memref<128xi32, #tpu.memory_space<vmem>>) semaphore(%run_scoped3A_24 : memref<!tpu.dma_semaphore, #tpu.memory_space<semaphore_mem>>) {add = true}
          %dma_wait3A_28 = arith.constant 0 : i32
          %dma_wait3A_29 = arith.constant 0 : i32
          %dma_wait3A_30 = tpu.memref_slice %arg10[%dma_wait3A_28, %dma_wait3A_29] : memref<10112x128xf32, #tpu.memory_space<vmem_shared>> -> memref<10112x128xf32, #tpu.memory_space<vmem_shared>>
          tpu.wait_indirect_dma semaphore(%run_scoped3A_24 : memref<!tpu.dma_semaphore, #tpu.memory_space<semaphore_mem>>) src(%arg9 : memref<128x128xf32, #tpu.memory_space<vmem>>) dst(%dma_wait3A_30 : memref<10112x128xf32, #tpu.memory_space<vmem_shared>>)
          tpu.yield
        }) : () -> ()
      } else {
      }
    }
    %scan3A_7 = arith.constant 40 : i32
    %barrier3A_8 = arith.constant 0 : index
    tpu.barrier barrier_id(%barrier3A_8)
    %mul3A_9 = arith.constant 632 : i32
    %mul3A_10 = arith.muli %arg1, %mul3A_9 : i32
    %mul3A_11 = arith.constant 632 : i32
    %mul3A_12 = arith.muli %arg1, %mul3A_11 : i32
    "tpu.region"() ({
      %run_scoped3A = tpu.sem_alloc : memref<!tpu.dma_semaphore, #tpu.memory_space<semaphore_mem>>
      %dma_start3A = arith.constant 0 : i32
      %dma_start3A_13 = tpu.memref_slice %arg6[%arg0, %mul3A_12, %dma_start3A] : memref<2x10112x128xf32, #tpu.memory_space<hbm>> -> memref<1x632x128xf32, #tpu.memory_space<hbm>>
      %dma_start3A_14 = tpu.memref_squeeze %dma_start3A_13 : memref<1x632x128xf32, #tpu.memory_space<hbm>> -> memref<632x128xf32, #tpu.memory_space<hbm>>
      %dma_start3A_15 = arith.constant 0 : i32
      %dma_start3A_16 = tpu.memref_slice %arg10[%mul3A_10, %dma_start3A_15] : memref<10112x128xf32, #tpu.memory_space<vmem_shared>> -> memref<632x128xf32, #tpu.memory_space<vmem_shared>>
      tpu.enqueue_dma source(%dma_start3A_16 : memref<632x128xf32, #tpu.memory_space<vmem_shared>>) target(%dma_start3A_14 : memref<632x128xf32, #tpu.memory_space<hbm>>) target_semaphore(%run_scoped3A : memref<!tpu.dma_semaphore, #tpu.memory_space<semaphore_mem>>)
      %dma_wait3A = arith.constant 0 : i32
      %dma_wait3A_17 = tpu.memref_slice %arg6[%arg0, %mul3A_12, %dma_wait3A] : memref<2x10112x128xf32, #tpu.memory_space<hbm>> -> memref<1x632x128xf32, #tpu.memory_space<hbm>>
      %dma_wait3A_18 = tpu.memref_squeeze %dma_wait3A_17 : memref<1x632x128xf32, #tpu.memory_space<hbm>> -> memref<632x128xf32, #tpu.memory_space<hbm>>
      %dma_wait3A_19 = arith.constant 0 : i32
      %dma_wait3A_20 = tpu.memref_slice %arg10[%mul3A_10, %dma_wait3A_19] : memref<10112x128xf32, #tpu.memory_space<vmem_shared>> -> memref<632x128xf32, #tpu.memory_space<vmem_shared>>
      tpu.wait_dma2 semaphore(%run_scoped3A : memref<!tpu.dma_semaphore, #tpu.memory_space<semaphore_mem>>) src(%dma_wait3A_20 : memref<632x128xf32, #tpu.memory_space<vmem_shared>>) dst(%dma_wait3A_18 : memref<632x128xf32, #tpu.memory_space<hbm>>)
      tpu.yield
    }) : () -> ()
    return
  }
}

#map = affine_map<(d0, d1) -> (0, 0)>
#map1 = affine_map<(d0, d1) -> (0, 0, 0)>
module attributes {stable_mosaic.version = 14 : i64} {
  func.func @k(%arg0: i32, %arg1: i32, %arg2: memref<160000x128xf32, #tpu.memory_space<hbm>>, %arg3: memref<1250x1x128xi32, #tpu.memory_space<hbm>>, %arg4: memref<1250x1x128xi32, #tpu.memory_space<hbm>>, %arg5: memref<632x128xf32, #tpu.memory_space<hbm>>, %arg6: memref<2x10112x128xf32, #tpu.memory_space<hbm>>, %arg7: memref<128xi32, #tpu.memory_space<vmem>>, %arg8: memref<128xi32, #tpu.memory_space<vmem>>, %arg9: memref<128x128xf32, #tpu.memory_space<vmem>>, %arg10: memref<10112x128xf32, #tpu.memory_space<vmem_shared>>, %arg11: memref<!tpu.dma_semaphore, #tpu.memory_space<semaphore_mem>>) attributes {dimension_semantics = [#tpu.dimension_semantics<core_parallel>, #tpu.dimension_semantics<subcore_parallel>], iteration_bounds = array<i64: 2, 16>, scalar_prefetch = 0 : i64, scratch_operands = 5 : i64, tpu.core_type = #tpu.core_type<sc_vector_subcore>, window_params = [{transform_indices = #map}, {transform_indices = #map1}, {transform_indices = #map1}, {transform_indices = #map}, {transform_indices = #map1}]} {
    %mul3A = arith.constant 2 : i32
    %mul3A_0 = arith.muli %arg1, %mul3A : i32
    %add3A = arith.addi %mul3A_0, %arg0 : i32
    %mul3A_1 = arith.constant 632 : i32
    %mul3A_2 = arith.muli %arg1, %mul3A_1 : i32
    "tpu.region"() ({
      %run_scoped3A = tpu.sem_alloc : memref<!tpu.dma_semaphore, #tpu.memory_space<semaphore_mem>>
      %dma_start3A = arith.constant 0 : i32
      %dma_start3A_13 = tpu.memref_slice %arg10[%mul3A_2, %dma_start3A] : memref<10112x128xf32, #tpu.memory_space<vmem_shared>> -> memref<632x128xf32, #tpu.memory_space<vmem_shared>>
      tpu.enqueue_dma source(%arg5 : memref<632x128xf32, #tpu.memory_space<hbm>>) target(%dma_start3A_13 : memref<632x128xf32, #tpu.memory_space<vmem_shared>>) target_semaphore(%run_scoped3A : memref<!tpu.dma_semaphore, #tpu.memory_space<semaphore_mem>>)
      %dma_wait3A = arith.constant 0 : i32
      %dma_wait3A_14 = tpu.memref_slice %arg10[%mul3A_2, %dma_wait3A] : memref<10112x128xf32, #tpu.memory_space<vmem_shared>> -> memref<632x128xf32, #tpu.memory_space<vmem_shared>>
      tpu.wait_dma2 semaphore(%run_scoped3A : memref<!tpu.dma_semaphore, #tpu.memory_space<semaphore_mem>>) src(%arg5 : memref<632x128xf32, #tpu.memory_space<hbm>>) dst(%dma_wait3A_14 : memref<632x128xf32, #tpu.memory_space<vmem_shared>>)
      tpu.yield
    }) : () -> ()
    %barrier3A = arith.constant 0 : index
    tpu.barrier barrier_id(%barrier3A)
    %scan3A = arith.constant 0 : i32
    %scan3A_3 = arith.constant 0 : i32
    %scan3A_4 = arith.constant 40 : i32
    %scan3A_5 = arith.addi %scan3A_3, %scan3A_4 : i32
    %scan3A_6 = arith.constant 1 : i32
    scf.for %scan3A_13 = %scan3A_3 to %scan3A_5 step %scan3A_6  : i32 {
      %mul3A_14 = arith.constant 32 : i32
      %mul3A_15 = arith.muli %mul3A_14, %scan3A_13 : i32
      %add3A_16 = arith.addi %add3A, %mul3A_15 : i32
      %lt3A = arith.constant 1250 : i32
      %lt3A_17 = arith.cmpi slt, %add3A_16, %lt3A : i32
      %convert_element_type3A = arith.extui %lt3A_17 : i1 to i32
      %cond3A = arith.constant 0 : i32
      %cond3A_18 = arith.cmpi ne, %convert_element_type3A, %cond3A : i32
      scf.if %cond3A_18 {
        %run_scoped3A = arith.constant 0 : i32
        "tpu.region"() ({
          %run_scoped3A_21 = tpu.sem_alloc : memref<!tpu.dma_semaphore, #tpu.memory_space<semaphore_mem>>
          %dma_start3A = arith.constant 0 : i32
          %dma_start3A_22 = tpu.memref_slice %arg4[%add3A_16, %run_scoped3A, %dma_start3A] : memref<1250x1x128xi32, #tpu.memory_space<hbm>> -> memref<1x1x128xi32, #tpu.memory_space<hbm>>
          %dma_start3A_23 = tpu.memref_squeeze %dma_start3A_22 : memref<1x1x128xi32, #tpu.memory_space<hbm>> -> memref<128xi32, #tpu.memory_space<hbm>>
          %dma_start3A_24 = arith.constant 0 : i32
          %dma_start3A_25 = tpu.memref_slice %arg4[%add3A_16, %run_scoped3A, %dma_start3A_24] : memref<1250x1x128xi32, #tpu.memory_space<hbm>> -> memref<1x1x128xi32, #tpu.memory_space<hbm>>
          %dma_start3A_26 = tpu.memref_squeeze %dma_start3A_25 : memref<1x1x128xi32, #tpu.memory_space<hbm>> -> memref<128xi32, #tpu.memory_space<hbm>>
          tpu.enqueue_dma source(%dma_start3A_26 : memref<128xi32, #tpu.memory_space<hbm>>) target(%arg8 : memref<128xi32, #tpu.memory_space<vmem>>) target_semaphore(%run_scoped3A_21 : memref<!tpu.dma_semaphore, #tpu.memory_space<semaphore_mem>>)
          %dma_wait3A = arith.constant 0 : i32
          %dma_wait3A_27 = tpu.memref_slice %arg4[%add3A_16, %run_scoped3A, %dma_wait3A] : memref<1250x1x128xi32, #tpu.memory_space<hbm>> -> memref<1x1x128xi32, #tpu.memory_space<hbm>>
          %dma_wait3A_28 = tpu.memref_squeeze %dma_wait3A_27 : memref<1x1x128xi32, #tpu.memory_space<hbm>> -> memref<128xi32, #tpu.memory_space<hbm>>
          %dma_wait3A_29 = arith.constant 0 : i32
          %dma_wait3A_30 = tpu.memref_slice %arg4[%add3A_16, %run_scoped3A, %dma_wait3A_29] : memref<1250x1x128xi32, #tpu.memory_space<hbm>> -> memref<1x1x128xi32, #tpu.memory_space<hbm>>
          %dma_wait3A_31 = tpu.memref_squeeze %dma_wait3A_30 : memref<1x1x128xi32, #tpu.memory_space<hbm>> -> memref<128xi32, #tpu.memory_space<hbm>>
          tpu.wait_dma2 semaphore(%run_scoped3A_21 : memref<!tpu.dma_semaphore, #tpu.memory_space<semaphore_mem>>) src(%dma_wait3A_31 : memref<128xi32, #tpu.memory_space<hbm>>) dst(%arg8 : memref<128xi32, #tpu.memory_space<vmem>>)
          tpu.yield
        }) : () -> ()
        %mul3A_19 = arith.constant 128 : i32
        %mul3A_20 = arith.muli %add3A_16, %mul3A_19 : i32
        "tpu.region"() ({
          %run_scoped3A_21 = tpu.sem_alloc : memref<!tpu.dma_semaphore, #tpu.memory_space<semaphore_mem>>
          %dma_start3A = arith.constant 0 : i32
          %dma_start3A_22 = tpu.memref_slice %arg2[%mul3A_20, %dma_start3A] : memref<160000x128xf32, #tpu.memory_space<hbm>> -> memref<128x128xf32, #tpu.memory_space<hbm>>
          %dma_start3A_23 = arith.constant 0 : i32
          %dma_start3A_24 = tpu.memref_slice %arg2[%mul3A_20, %dma_start3A_23] : memref<160000x128xf32, #tpu.memory_space<hbm>> -> memref<128x128xf32, #tpu.memory_space<hbm>>
          tpu.enqueue_dma source(%dma_start3A_24 : memref<128x128xf32, #tpu.memory_space<hbm>>) target(%arg9 : memref<128x128xf32, #tpu.memory_space<vmem>>) target_semaphore(%run_scoped3A_21 : memref<!tpu.dma_semaphore, #tpu.memory_space<semaphore_mem>>)
          %dma_wait3A = arith.constant 0 : i32
          %dma_wait3A_25 = tpu.memref_slice %arg2[%mul3A_20, %dma_wait3A] : memref<160000x128xf32, #tpu.memory_space<hbm>> -> memref<128x128xf32, #tpu.memory_space<hbm>>
          %dma_wait3A_26 = arith.constant 0 : i32
          %dma_wait3A_27 = tpu.memref_slice %arg2[%mul3A_20, %dma_wait3A_26] : memref<160000x128xf32, #tpu.memory_space<hbm>> -> memref<128x128xf32, #tpu.memory_space<hbm>>
          tpu.wait_dma2 semaphore(%run_scoped3A_21 : memref<!tpu.dma_semaphore, #tpu.memory_space<semaphore_mem>>) src(%dma_wait3A_27 : memref<128x128xf32, #tpu.memory_space<hbm>>) dst(%arg9 : memref<128x128xf32, #tpu.memory_space<vmem>>)
          tpu.yield
        }) : () -> ()
        "tpu.region"() ({
          %run_scoped3A_21 = tpu.sem_alloc : memref<!tpu.dma_semaphore, #tpu.memory_space<semaphore_mem>>
          %dma_start3A = arith.constant 0 : i32
          %dma_start3A_22 = arith.constant 0 : i32
          %dma_start3A_23 = tpu.memref_slice %arg10[%dma_start3A, %dma_start3A_22] : memref<10112x128xf32, #tpu.memory_space<vmem_shared>> -> memref<10112x128xf32, #tpu.memory_space<vmem_shared>>
          tpu.enqueue_indirect_dma source(%arg9 : memref<128x128xf32, #tpu.memory_space<vmem>>) target(%dma_start3A_23 : memref<10112x128xf32, #tpu.memory_space<vmem_shared>>) offsets(%arg8 : memref<128xi32, #tpu.memory_space<vmem>>) semaphore(%run_scoped3A_21 : memref<!tpu.dma_semaphore, #tpu.memory_space<semaphore_mem>>) {add = true}
          %dma_wait3A = arith.constant 0 : i32
          %dma_wait3A_24 = arith.constant 0 : i32
          %dma_wait3A_25 = tpu.memref_slice %arg10[%dma_wait3A, %dma_wait3A_24] : memref<10112x128xf32, #tpu.memory_space<vmem_shared>> -> memref<10112x128xf32, #tpu.memory_space<vmem_shared>>
          tpu.wait_indirect_dma semaphore(%run_scoped3A_21 : memref<!tpu.dma_semaphore, #tpu.memory_space<semaphore_mem>>) src(%arg9 : memref<128x128xf32, #tpu.memory_space<vmem>>) dst(%dma_wait3A_25 : memref<10112x128xf32, #tpu.memory_space<vmem_shared>>)
          tpu.yield
        }) : () -> ()
      } else {
      }
    }
    %scan3A_7 = arith.constant 40 : i32
    %barrier3A_8 = arith.constant 0 : index
    tpu.barrier barrier_id(%barrier3A_8)
    %mul3A_9 = arith.constant 632 : i32
    %mul3A_10 = arith.muli %arg1, %mul3A_9 : i32
    %mul3A_11 = arith.constant 632 : i32
    %mul3A_12 = arith.muli %arg1, %mul3A_11 : i32
    "tpu.region"() ({
      %run_scoped3A = tpu.sem_alloc : memref<!tpu.dma_semaphore, #tpu.memory_space<semaphore_mem>>
      %dma_start3A = arith.constant 0 : i32
      %dma_start3A_13 = tpu.memref_slice %arg6[%arg0, %mul3A_12, %dma_start3A] : memref<2x10112x128xf32, #tpu.memory_space<hbm>> -> memref<1x632x128xf32, #tpu.memory_space<hbm>>
      %dma_start3A_14 = tpu.memref_squeeze %dma_start3A_13 : memref<1x632x128xf32, #tpu.memory_space<hbm>> -> memref<632x128xf32, #tpu.memory_space<hbm>>
      %dma_start3A_15 = arith.constant 0 : i32
      %dma_start3A_16 = tpu.memref_slice %arg10[%mul3A_10, %dma_start3A_15] : memref<10112x128xf32, #tpu.memory_space<vmem_shared>> -> memref<632x128xf32, #tpu.memory_space<vmem_shared>>
      tpu.enqueue_dma source(%dma_start3A_16 : memref<632x128xf32, #tpu.memory_space<vmem_shared>>) target(%dma_start3A_14 : memref<632x128xf32, #tpu.memory_space<hbm>>) target_semaphore(%run_scoped3A : memref<!tpu.dma_semaphore, #tpu.memory_space<semaphore_mem>>)
      %dma_wait3A = arith.constant 0 : i32
      %dma_wait3A_17 = tpu.memref_slice %arg6[%arg0, %mul3A_12, %dma_wait3A] : memref<2x10112x128xf32, #tpu.memory_space<hbm>> -> memref<1x632x128xf32, #tpu.memory_space<hbm>>
      %dma_wait3A_18 = tpu.memref_squeeze %dma_wait3A_17 : memref<1x632x128xf32, #tpu.memory_space<hbm>> -> memref<632x128xf32, #tpu.memory_space<hbm>>
      %dma_wait3A_19 = arith.constant 0 : i32
      %dma_wait3A_20 = tpu.memref_slice %arg10[%mul3A_10, %dma_wait3A_19] : memref<10112x128xf32, #tpu.memory_space<vmem_shared>> -> memref<632x128xf32, #tpu.memory_space<vmem_shared>>
      tpu.wait_dma2 semaphore(%run_scoped3A : memref<!tpu.dma_semaphore, #tpu.memory_space<semaphore_mem>>) src(%dma_wait3A_20 : memref<632x128xf32, #tpu.memory_space<vmem_shared>>) dst(%dma_wait3A_18 : memref<632x128xf32, #tpu.memory_space<hbm>>)
      tpu.yield
    }) : () -> ()
    return
  }
}

#map = affine_map<(d0, d1) -> (0, 0)>
#map1 = affine_map<(d0, d1) -> (0, 0, 0)>
module attributes {stable_mosaic.version = 14 : i64} {
  func.func @k(%arg0: i32, %arg1: i32, %arg2: memref<10000x128xf32, #tpu.memory_space<hbm>>, %arg3: memref<1250x1x128xi32, #tpu.memory_space<hbm>>, %arg4: memref<1250x1x128xi32, #tpu.memory_space<hbm>>, %arg5: memref<632x128xf32, #tpu.memory_space<hbm>>, %arg6: memref<2x10112x128xf32, #tpu.memory_space<hbm>>, %arg7: memref<128xi32, #tpu.memory_space<vmem>>, %arg8: memref<128xi32, #tpu.memory_space<vmem>>, %arg9: memref<128x128xf32, #tpu.memory_space<vmem>>, %arg10: memref<10112x128xf32, #tpu.memory_space<vmem_shared>>, %arg11: memref<!tpu.dma_semaphore, #tpu.memory_space<semaphore_mem>>) attributes {dimension_semantics = [#tpu.dimension_semantics<core_parallel>, #tpu.dimension_semantics<subcore_parallel>], iteration_bounds = array<i64: 2, 16>, scalar_prefetch = 0 : i64, scratch_operands = 5 : i64, tpu.core_type = #tpu.core_type<sc_vector_subcore>, window_params = [{transform_indices = #map}, {transform_indices = #map1}, {transform_indices = #map1}, {transform_indices = #map}, {transform_indices = #map1}]} {
    %mul3A = arith.constant 2 : i32
    %mul3A_0 = arith.muli %arg1, %mul3A : i32
    %add3A = arith.addi %mul3A_0, %arg0 : i32
    %mul3A_1 = arith.constant 632 : i32
    %mul3A_2 = arith.muli %arg1, %mul3A_1 : i32
    "tpu.region"() ({
      %run_scoped3A = tpu.sem_alloc : memref<!tpu.dma_semaphore, #tpu.memory_space<semaphore_mem>>
      %dma_start3A = arith.constant 0 : i32
      %dma_start3A_13 = tpu.memref_slice %arg10[%mul3A_2, %dma_start3A] : memref<10112x128xf32, #tpu.memory_space<vmem_shared>> -> memref<632x128xf32, #tpu.memory_space<vmem_shared>>
      tpu.enqueue_dma source(%arg5 : memref<632x128xf32, #tpu.memory_space<hbm>>) target(%dma_start3A_13 : memref<632x128xf32, #tpu.memory_space<vmem_shared>>) target_semaphore(%run_scoped3A : memref<!tpu.dma_semaphore, #tpu.memory_space<semaphore_mem>>)
      %dma_wait3A = arith.constant 0 : i32
      %dma_wait3A_14 = tpu.memref_slice %arg10[%mul3A_2, %dma_wait3A] : memref<10112x128xf32, #tpu.memory_space<vmem_shared>> -> memref<632x128xf32, #tpu.memory_space<vmem_shared>>
      tpu.wait_dma2 semaphore(%run_scoped3A : memref<!tpu.dma_semaphore, #tpu.memory_space<semaphore_mem>>) src(%arg5 : memref<632x128xf32, #tpu.memory_space<hbm>>) dst(%dma_wait3A_14 : memref<632x128xf32, #tpu.memory_space<vmem_shared>>)
      tpu.yield
    }) : () -> ()
    %barrier3A = arith.constant 0 : index
    tpu.barrier barrier_id(%barrier3A)
    %scan3A = arith.constant 0 : i32
    %scan3A_3 = arith.constant 0 : i32
    %scan3A_4 = arith.constant 40 : i32
    %scan3A_5 = arith.addi %scan3A_3, %scan3A_4 : i32
    %scan3A_6 = arith.constant 1 : i32
    scf.for %scan3A_13 = %scan3A_3 to %scan3A_5 step %scan3A_6  : i32 {
      %mul3A_14 = arith.constant 32 : i32
      %mul3A_15 = arith.muli %mul3A_14, %scan3A_13 : i32
      %add3A_16 = arith.addi %add3A, %mul3A_15 : i32
      %lt3A = arith.constant 1250 : i32
      %lt3A_17 = arith.cmpi slt, %add3A_16, %lt3A : i32
      %convert_element_type3A = arith.extui %lt3A_17 : i1 to i32
      %cond3A = arith.constant 0 : i32
      %cond3A_18 = arith.cmpi ne, %convert_element_type3A, %cond3A : i32
      scf.if %cond3A_18 {
        %run_scoped3A = arith.constant 0 : i32
        "tpu.region"() ({
          %run_scoped3A_24 = tpu.sem_alloc : memref<!tpu.dma_semaphore, #tpu.memory_space<semaphore_mem>>
          %dma_start3A_25 = arith.constant 0 : i32
          %dma_start3A_26 = tpu.memref_slice %arg4[%add3A_16, %run_scoped3A, %dma_start3A_25] : memref<1250x1x128xi32, #tpu.memory_space<hbm>> -> memref<1x1x128xi32, #tpu.memory_space<hbm>>
          %dma_start3A_27 = tpu.memref_squeeze %dma_start3A_26 : memref<1x1x128xi32, #tpu.memory_space<hbm>> -> memref<128xi32, #tpu.memory_space<hbm>>
          %dma_start3A_28 = arith.constant 0 : i32
          %dma_start3A_29 = tpu.memref_slice %arg4[%add3A_16, %run_scoped3A, %dma_start3A_28] : memref<1250x1x128xi32, #tpu.memory_space<hbm>> -> memref<1x1x128xi32, #tpu.memory_space<hbm>>
          %dma_start3A_30 = tpu.memref_squeeze %dma_start3A_29 : memref<1x1x128xi32, #tpu.memory_space<hbm>> -> memref<128xi32, #tpu.memory_space<hbm>>
          tpu.enqueue_dma source(%dma_start3A_30 : memref<128xi32, #tpu.memory_space<hbm>>) target(%arg8 : memref<128xi32, #tpu.memory_space<vmem>>) target_semaphore(%run_scoped3A_24 : memref<!tpu.dma_semaphore, #tpu.memory_space<semaphore_mem>>)
          %dma_wait3A_31 = arith.constant 0 : i32
          %dma_wait3A_32 = tpu.memref_slice %arg4[%add3A_16, %run_scoped3A, %dma_wait3A_31] : memref<1250x1x128xi32, #tpu.memory_space<hbm>> -> memref<1x1x128xi32, #tpu.memory_space<hbm>>
          %dma_wait3A_33 = tpu.memref_squeeze %dma_wait3A_32 : memref<1x1x128xi32, #tpu.memory_space<hbm>> -> memref<128xi32, #tpu.memory_space<hbm>>
          %dma_wait3A_34 = arith.constant 0 : i32
          %dma_wait3A_35 = tpu.memref_slice %arg4[%add3A_16, %run_scoped3A, %dma_wait3A_34] : memref<1250x1x128xi32, #tpu.memory_space<hbm>> -> memref<1x1x128xi32, #tpu.memory_space<hbm>>
          %dma_wait3A_36 = tpu.memref_squeeze %dma_wait3A_35 : memref<1x1x128xi32, #tpu.memory_space<hbm>> -> memref<128xi32, #tpu.memory_space<hbm>>
          tpu.wait_dma2 semaphore(%run_scoped3A_24 : memref<!tpu.dma_semaphore, #tpu.memory_space<semaphore_mem>>) src(%dma_wait3A_36 : memref<128xi32, #tpu.memory_space<hbm>>) dst(%arg8 : memref<128xi32, #tpu.memory_space<vmem>>)
          tpu.yield
        }) : () -> ()
        %run_scoped3A_19 = arith.constant 0 : i32
        "tpu.region"() ({
          %run_scoped3A_24 = tpu.sem_alloc : memref<!tpu.dma_semaphore, #tpu.memory_space<semaphore_mem>>
          %dma_start3A_25 = arith.constant 0 : i32
          %dma_start3A_26 = tpu.memref_slice %arg3[%add3A_16, %run_scoped3A_19, %dma_start3A_25] : memref<1250x1x128xi32, #tpu.memory_space<hbm>> -> memref<1x1x128xi32, #tpu.memory_space<hbm>>
          %dma_start3A_27 = tpu.memref_squeeze %dma_start3A_26 : memref<1x1x128xi32, #tpu.memory_space<hbm>> -> memref<128xi32, #tpu.memory_space<hbm>>
          %dma_start3A_28 = arith.constant 0 : i32
          %dma_start3A_29 = tpu.memref_slice %arg3[%add3A_16, %run_scoped3A_19, %dma_start3A_28] : memref<1250x1x128xi32, #tpu.memory_space<hbm>> -> memref<1x1x128xi32, #tpu.memory_space<hbm>>
          %dma_start3A_30 = tpu.memref_squeeze %dma_start3A_29 : memref<1x1x128xi32, #tpu.memory_space<hbm>> -> memref<128xi32, #tpu.memory_space<hbm>>
          tpu.enqueue_dma source(%dma_start3A_30 : memref<128xi32, #tpu.memory_space<hbm>>) target(%arg7 : memref<128xi32, #tpu.memory_space<vmem>>) target_semaphore(%run_scoped3A_24 : memref<!tpu.dma_semaphore, #tpu.memory_space<semaphore_mem>>)
          %dma_wait3A_31 = arith.constant 0 : i32
          %dma_wait3A_32 = tpu.memref_slice %arg3[%add3A_16, %run_scoped3A_19, %dma_wait3A_31] : memref<1250x1x128xi32, #tpu.memory_space<hbm>> -> memref<1x1x128xi32, #tpu.memory_space<hbm>>
          %dma_wait3A_33 = tpu.memref_squeeze %dma_wait3A_32 : memref<1x1x128xi32, #tpu.memory_space<hbm>> -> memref<128xi32, #tpu.memory_space<hbm>>
          %dma_wait3A_34 = arith.constant 0 : i32
          %dma_wait3A_35 = tpu.memref_slice %arg3[%add3A_16, %run_scoped3A_19, %dma_wait3A_34] : memref<1250x1x128xi32, #tpu.memory_space<hbm>> -> memref<1x1x128xi32, #tpu.memory_space<hbm>>
          %dma_wait3A_36 = tpu.memref_squeeze %dma_wait3A_35 : memref<1x1x128xi32, #tpu.memory_space<hbm>> -> memref<128xi32, #tpu.memory_space<hbm>>
          tpu.wait_dma2 semaphore(%run_scoped3A_24 : memref<!tpu.dma_semaphore, #tpu.memory_space<semaphore_mem>>) src(%dma_wait3A_36 : memref<128xi32, #tpu.memory_space<hbm>>) dst(%arg7 : memref<128xi32, #tpu.memory_space<vmem>>)
          tpu.yield
        }) : () -> ()
        %dma_start3A = arith.constant 0 : i32
        %dma_start3A_20 = arith.constant 0 : i32
        %dma_start3A_21 = tpu.memref_slice %arg2[%dma_start3A, %dma_start3A_20] : memref<10000x128xf32, #tpu.memory_space<hbm>> -> memref<10000x128xf32, #tpu.memory_space<hbm>>
        tpu.enqueue_indirect_dma source(%dma_start3A_21 : memref<10000x128xf32, #tpu.memory_space<hbm>>) target(%arg9 : memref<128x128xf32, #tpu.memory_space<vmem>>) offsets(%arg7 : memref<128xi32, #tpu.memory_space<vmem>>) semaphore(%arg11 : memref<!tpu.dma_semaphore, #tpu.memory_space<semaphore_mem>>)
        %dma_wait3A = arith.constant 0 : i32
        %dma_wait3A_22 = arith.constant 0 : i32
        %dma_wait3A_23 = tpu.memref_slice %arg2[%dma_wait3A, %dma_wait3A_22] : memref<10000x128xf32, #tpu.memory_space<hbm>> -> memref<10000x128xf32, #tpu.memory_space<hbm>>
        tpu.wait_indirect_dma semaphore(%arg11 : memref<!tpu.dma_semaphore, #tpu.memory_space<semaphore_mem>>) src(%dma_wait3A_23 : memref<10000x128xf32, #tpu.memory_space<hbm>>) dst(%arg9 : memref<128x128xf32, #tpu.memory_space<vmem>>)
        "tpu.region"() ({
          %run_scoped3A_24 = tpu.sem_alloc : memref<!tpu.dma_semaphore, #tpu.memory_space<semaphore_mem>>
          %dma_start3A_25 = arith.constant 0 : i32
          %dma_start3A_26 = arith.constant 0 : i32
          %dma_start3A_27 = tpu.memref_slice %arg10[%dma_start3A_25, %dma_start3A_26] : memref<10112x128xf32, #tpu.memory_space<vmem_shared>> -> memref<10112x128xf32, #tpu.memory_space<vmem_shared>>
          tpu.enqueue_indirect_dma source(%arg9 : memref<128x128xf32, #tpu.memory_space<vmem>>) target(%dma_start3A_27 : memref<10112x128xf32, #tpu.memory_space<vmem_shared>>) offsets(%arg8 : memref<128xi32, #tpu.memory_space<vmem>>) semaphore(%run_scoped3A_24 : memref<!tpu.dma_semaphore, #tpu.memory_space<semaphore_mem>>) {add = true}
          %dma_wait3A_28 = arith.constant 0 : i32
          %dma_wait3A_29 = arith.constant 0 : i32
          %dma_wait3A_30 = tpu.memref_slice %arg10[%dma_wait3A_28, %dma_wait3A_29] : memref<10112x128xf32, #tpu.memory_space<vmem_shared>> -> memref<10112x128xf32, #tpu.memory_space<vmem_shared>>
          tpu.wait_indirect_dma semaphore(%run_scoped3A_24 : memref<!tpu.dma_semaphore, #tpu.memory_space<semaphore_mem>>) src(%arg9 : memref<128x128xf32, #tpu.memory_space<vmem>>) dst(%dma_wait3A_30 : memref<10112x128xf32, #tpu.memory_space<vmem_shared>>)
          tpu.yield
        }) : () -> ()
      } else {
      }
    }
    %scan3A_7 = arith.constant 40 : i32
    %barrier3A_8 = arith.constant 0 : index
    tpu.barrier barrier_id(%barrier3A_8)
    %mul3A_9 = arith.constant 632 : i32
    %mul3A_10 = arith.muli %arg1, %mul3A_9 : i32
    %mul3A_11 = arith.constant 632 : i32
    %mul3A_12 = arith.muli %arg1, %mul3A_11 : i32
    "tpu.region"() ({
      %run_scoped3A = tpu.sem_alloc : memref<!tpu.dma_semaphore, #tpu.memory_space<semaphore_mem>>
      %dma_start3A = arith.constant 0 : i32
      %dma_start3A_13 = tpu.memref_slice %arg6[%arg0, %mul3A_12, %dma_start3A] : memref<2x10112x128xf32, #tpu.memory_space<hbm>> -> memref<1x632x128xf32, #tpu.memory_space<hbm>>
      %dma_start3A_14 = tpu.memref_squeeze %dma_start3A_13 : memref<1x632x128xf32, #tpu.memory_space<hbm>> -> memref<632x128xf32, #tpu.memory_space<hbm>>
      %dma_start3A_15 = arith.constant 0 : i32
      %dma_start3A_16 = tpu.memref_slice %arg10[%mul3A_10, %dma_start3A_15] : memref<10112x128xf32, #tpu.memory_space<vmem_shared>> -> memref<632x128xf32, #tpu.memory_space<vmem_shared>>
      tpu.enqueue_dma source(%dma_start3A_16 : memref<632x128xf32, #tpu.memory_space<vmem_shared>>) target(%dma_start3A_14 : memref<632x128xf32, #tpu.memory_space<hbm>>) target_semaphore(%run_scoped3A : memref<!tpu.dma_semaphore, #tpu.memory_space<semaphore_mem>>)
      %dma_wait3A = arith.constant 0 : i32
      %dma_wait3A_17 = tpu.memref_slice %arg6[%arg0, %mul3A_12, %dma_wait3A] : memref<2x10112x128xf32, #tpu.memory_space<hbm>> -> memref<1x632x128xf32, #tpu.memory_space<hbm>>
      %dma_wait3A_18 = tpu.memref_squeeze %dma_wait3A_17 : memref<1x632x128xf32, #tpu.memory_space<hbm>> -> memref<632x128xf32, #tpu.memory_space<hbm>>
      %dma_wait3A_19 = arith.constant 0 : i32
      %dma_wait3A_20 = tpu.memref_slice %arg10[%mul3A_10, %dma_wait3A_19] : memref<10112x128xf32, #tpu.memory_space<vmem_shared>> -> memref<632x128xf32, #tpu.memory_space<vmem_shared>>
      tpu.wait_dma2 semaphore(%run_scoped3A : memref<!tpu.dma_semaphore, #tpu.memory_space<semaphore_mem>>) src(%dma_wait3A_20 : memref<632x128xf32, #tpu.memory_space<vmem_shared>>) dst(%dma_wait3A_18 : memref<632x128xf32, #tpu.memory_space<hbm>>)
      tpu.yield
    }) : () -> ()
    return
  }
}

module attributes {stable_mosaic.version = 14 : i64} {
  func.func @_stats_body(%arg0: i32, %arg1: memref<256x128xf32, #tpu.memory_space<vmem>>, %arg2: memref<2x128xf32, #tpu.memory_space<vmem>>) attributes {dimension_semantics = [#tpu.dimension_semantics<arbitrary>], iteration_bounds = array<i64: 40>, scalar_prefetch = 0 : i64, scratch_operands = 0 : i64, tpu.core_type = #tpu.core_type<tc>, window_params = [{transform_indices = @transform_0, window_bounds = array<i64: 256, 128>}, {pipeline_mode = #tpu.pipeline_mode<synchronous>, transform_indices = @transform_1, window_bounds = array<i64: 2, 128>}]} {
    %iota3A = tpu.iota {dimensions = array<i32: 0>} : vector<256x1xi32>
    %mul3A = arith.constant 256 : i32
    %mul3A_0 = arith.muli %arg0, %mul3A : i32
    %add3A = vector.broadcast %mul3A_0 : i32 to vector<256x1xi32>
    %add3A_1 = arith.addi %iota3A, %add3A : vector<256x1xi32>
    %lt3A = arith.constant 10000 : i32
    %lt3A_2 = vector.broadcast %lt3A : i32 to vector<256x1xi32>
    %lt3A_3 = arith.cmpi slt, %add3A_1, %lt3A_2 : vector<256x1xi32>
    %get3A = arith.constant 0 : index
    %get3A_4 = arith.constant 0 : index
    %get3A_5 = vector.load %arg1[%get3A, %get3A_4] : memref<256x128xf32, #tpu.memory_space<vmem>>, vector<256x128xf32>
    %jit3A = arith.constant 0.000000e+00 : f32
    %broadcast_in_dim3A = vector.shape_cast %lt3A_3 : vector<256x1xi1> to vector<256x1xi1>
    %broadcast_in_dim3A_6 = vector.broadcast %broadcast_in_dim3A : vector<256x1xi1> to vector<256x128xi1>
    %broadcast_in_dim3A_7 = vector.broadcast %jit3A : f32 to vector<256x128xf32>
    %select_n3A = arith.select %broadcast_in_dim3A_6, %get3A_5, %broadcast_in_dim3A_7 : vector<256x128xi1>, vector<256x128xf32>
    %reduce_sum3A = arith.constant dense<0.000000e+00> : vector<128xf32>
    %reduce_sum3A_8 = vector.multi_reduction <add>, %select_n3A, %reduce_sum3A [0] : vector<256x128xf32> to vector<128xf32>
    %broadcast_in_dim3A_9 = vector.shape_cast %reduce_sum3A_8 : vector<128xf32> to vector<1x128xf32>
    %mul3A_10 = arith.mulf %select_n3A, %select_n3A : vector<256x128xf32>
    %reduce_sum3A_11 = arith.constant dense<0.000000e+00> : vector<128xf32>
    %reduce_sum3A_12 = vector.multi_reduction <add>, %mul3A_10, %reduce_sum3A_11 [0] : vector<256x128xf32> to vector<128xf32>
    %broadcast_in_dim3A_13 = vector.shape_cast %reduce_sum3A_12 : vector<128xf32> to vector<1x128xf32>
    %concatenate3A = tpu.concatenate %broadcast_in_dim3A_9, %broadcast_in_dim3A_13 in 0 : vector<1x128xf32>, vector<1x128xf32> -> vector<2x128xf32>
    %eq3A = arith.constant 0 : i32
    %eq3A_14 = arith.cmpi eq, %arg0, %eq3A : i32
    %convert_element_type3A = arith.extui %eq3A_14 : i1 to i32
    %cond3A = arith.constant 0 : i32
    %cond3A_15 = arith.cmpi ne, %convert_element_type3A, %cond3A : i32
    scf.if %cond3A_15 {
      %broadcast_in_dim3A_22 = arith.constant 0.000000e+00 : f32
      %broadcast_in_dim3A_23 = vector.broadcast %broadcast_in_dim3A_22 : f32 to vector<2x128xf32>
      %swap3A_24 = arith.constant 0 : index
      %swap3A_25 = arith.constant 0 : index
      %swap3A_26 = vector.load %arg2[%swap3A_24, %swap3A_25] : memref<2x128xf32, #tpu.memory_space<vmem>>, vector<2x128xf32>
      tpu.vector_store %arg2[%swap3A_24, %swap3A_25], %broadcast_in_dim3A_23 {strides = array<i32>} : memref<2x128xf32, #tpu.memory_space<vmem>>, vector<2x128xf32>,
    } else {
    }
    %get3A_16 = arith.constant 0 : index
    %get3A_17 = arith.constant 0 : index
    %get3A_18 = vector.load %arg2[%get3A_16, %get3A_17] : memref<2x128xf32, #tpu.memory_space<vmem>>, vector<2x128xf32>
    %add3A_19 = arith.addf %get3A_18, %concatenate3A : vector<2x128xf32>
    %swap3A = arith.constant 0 : index
    %swap3A_20 = arith.constant 0 : index
    %swap3A_21 = vector.load %arg2[%swap3A, %swap3A_20] : memref<2x128xf32, #tpu.memory_space<vmem>>, vector<2x128xf32>
    tpu.vector_store %arg2[%swap3A, %swap3A_20], %add3A_19 {strides = array<i32>} : memref<2x128xf32, #tpu.memory_space<vmem>>, vector<2x128xf32>,
    return
  }
  func.func @transform_0(%arg0: i32) -> (i32, i32) {
    %c0_i32 = arith.constant 0 : i32
    %c0_i32_0 = arith.constant 0 : i32
    return %arg0, %c0_i32 : i32, i32
  }
  func.func @transform_1(%arg0: i32) -> (i32, i32) {
    %c0_i32 = arith.constant 0 : i32
    %c0_i32_0 = arith.constant 0 : i32
    %c0_i32_1 = arith.constant 0 : i32
    return %c0_i32, %c0_i32_0 : i32, i32
  }
}

module attributes {stable_mosaic.version = 14 : i64} {
  func.func @_expert_body(%arg0: i32, %arg1: memref<256x128xf32, #tpu.memory_space<vmem>>, %arg2: memref<2x256x128xf32, #tpu.memory_space<vmem>>, %arg3: memref<2x256x128xf32, #tpu.memory_space<vmem>>, %arg4: memref<2x128xf32, #tpu.memory_space<vmem>>, %arg5: memref<1x128xf32, #tpu.memory_space<vmem>>, %arg6: memref<1x128xf32, #tpu.memory_space<vmem>>, %arg7: memref<128x8xf32, #tpu.memory_space<vmem>>, %arg8: memref<272x2048xf32, #tpu.memory_space<vmem>>, %arg9: memref<1x2048xf32, #tpu.memory_space<vmem>>, %arg10: memref<256x128xf32, #tpu.memory_space<vmem>>, %arg11: memref<256x128xf32, #tpu.memory_space<vmem>>, %arg12: memref<256x2xi32, #tpu.memory_space<vmem>>, %arg13: memref<1x8xf32, #tpu.memory_space<vmem>>, %arg14: memref<1x1xf32, #tpu.memory_space<vmem>>, %arg15: memref<2x256xf32, #tpu.memory_space<vmem>>) attributes {dimension_semantics = [#tpu.dimension_semantics<arbitrary>], iteration_bounds = array<i64: 40>, scalar_prefetch = 0 : i64, scratch_operands = 0 : i64, tpu.core_type = #tpu.core_type<tc>, window_params = [{transform_indices = @transform_0, window_bounds = array<i64: 256, 128>}, {transform_indices = @transform_1, window_bounds = array<i64: 2, 256, 128>}, {transform_indices = @transform_2, window_bounds = array<i64: 2, 256, 128>}, {pipeline_mode = #tpu.pipeline_mode<synchronous>, transform_indices = @transform_3, window_bounds = array<i64: 2, 128>}, {pipeline_mode = #tpu.pipeline_mode<synchronous>, transform_indices = @transform_4, window_bounds = array<i64: 1, 128>}, {pipeline_mode = #tpu.pipeline_mode<synchronous>, transform_indices = @transform_5, window_bounds = array<i64: 1, 128>}, {pipeline_mode = #tpu.pipeline_mode<synchronous>, transform_indices = @transform_6, window_bounds = array<i64: 128, 8>}, {pipeline_mode = #tpu.pipeline_mode<synchronous>, transform_indices = @transform_7, window_bounds = array<i64: 272, 2048>}, {pipeline_mode = #tpu.pipeline_mode<synchronous>, transform_indices = @transform_8, window_bounds = array<i64: 1, 2048>}, {transform_indices = @transform_9, window_bounds = array<i64: 256, 128>}, {transform_indices = @transform_10, window_bounds = array<i64: 256, 128>}, {transform_indices = @transform_11, window_bounds = array<i64: 256, 2>}, {pipeline_mode = #tpu.pipeline_mode<synchronous>, transform_indices = @transform_12, window_bounds = array<i64: 1, 8>}, {pipeline_mode = #tpu.pipeline_mode<synchronous>, transform_indices = @transform_13, window_bounds = array<i64: 1, 1>}, {pipeline_mode = #tpu.pipeline_mode<synchronous>, transform_indices = @transform_14, window_bounds = array<i64: 2, 256>}]} {
    %iota3A = tpu.iota {dimensions = array<i32: 0>} : vector<256x1xi32>
    %mul3A = arith.constant 256 : i32
    %mul3A_0 = arith.muli %arg0, %mul3A : i32
    %add3A = vector.broadcast %mul3A_0 : i32 to vector<256x1xi32>
    %add3A_1 = arith.addi %iota3A, %add3A : vector<256x1xi32>
    %lt3A = arith.constant 10000 : i32
    %lt3A_2 = vector.broadcast %lt3A : i32 to vector<256x1xi32>
    %lt3A_3 = arith.cmpi slt, %add3A_1, %lt3A_2 : vector<256x1xi32>
    %get3A = arith.constant 0 : index
    %get3A_4 = arith.constant 0 : index
    %get3A_5 = vector.load %arg4[%get3A, %get3A_4] : memref<2x128xf32, #tpu.memory_space<vmem>>, vector<1x128xf32>
    %div3A = arith.constant 1.000000e+04 : f32
    %div3A_6 = vector.broadcast %div3A : f32 to vector<1x128xf32>
    %div3A_7 = arith.divf %get3A_5, %div3A_6 : vector<1x128xf32>
    %get3A_8 = arith.constant 1 : index
    %get3A_9 = arith.constant 0 : index
    %get3A_10 = vector.load %arg4[%get3A_8, %get3A_9] : memref<2x128xf32, #tpu.memory_space<vmem>>, vector<1x128xf32>
    %div3A_11 = arith.constant 1.000000e+04 : f32
    %div3A_12 = vector.broadcast %div3A_11 : f32 to vector<1x128xf32>
    %div3A_13 = arith.divf %get3A_10, %div3A_12 : vector<1x128xf32>
    %mul3A_14 = arith.mulf %div3A_7, %div3A_7 : vector<1x128xf32>
    %sub3A = arith.subf %div3A_13, %mul3A_14 : vector<1x128xf32>
    %get3A_15 = arith.constant 0 : index
    %get3A_16 = arith.constant 0 : index
    %get3A_17 = vector.load %arg5[%get3A_15, %get3A_16] : memref<1x128xf32, #tpu.memory_space<vmem>>, vector<1x128xf32>
    %add3A_18 = arith.constant 9.99999974E-6 : f32
    %add3A_19 = vector.broadcast %add3A_18 : f32 to vector<1x128xf32>
    %add3A_20 = arith.addf %sub3A, %add3A_19 : vector<1x128xf32>
    %sqrt3A = math.sqrt %add3A_20 : vector<1x128xf32>
    %div3A_21 = arith.divf %get3A_17, %sqrt3A : vector<1x128xf32>
    %get3A_22 = arith.constant 0 : index
    %get3A_23 = arith.constant 0 : index
    %get3A_24 = vector.load %arg6[%get3A_22, %get3A_23] : memref<1x128xf32, #tpu.memory_space<vmem>>, vector<1x128xf32>
    %mul3A_25 = arith.mulf %div3A_7, %div3A_21 : vector<1x128xf32>
    %sub3A_26 = arith.subf %get3A_24, %mul3A_25 : vector<1x128xf32>
    %get3A_27 = arith.constant 0 : index
    %get3A_28 = arith.constant 0 : index
    %get3A_29 = vector.load %arg1[%get3A_27, %get3A_28] : memref<256x128xf32, #tpu.memory_space<vmem>>, vector<256x128xf32>
    %jit3A = arith.constant 0.000000e+00 : f32
    %broadcast_in_dim3A = vector.shape_cast %lt3A_3 : vector<256x1xi1> to vector<256x1xi1>
    %broadcast_in_dim3A_30 = vector.broadcast %broadcast_in_dim3A : vector<256x1xi1> to vector<256x128xi1>
    %broadcast_in_dim3A_31 = vector.broadcast %jit3A : f32 to vector<256x128xf32>
    %select_n3A = arith.select %broadcast_in_dim3A_30, %get3A_29, %broadcast_in_dim3A_31 : vector<256x128xi1>, vector<256x128xf32>
    %mul3A_32 = vector.broadcast %div3A_21 : vector<1x128xf32> to vector<256x128xf32>
    %mul3A_33 = arith.mulf %select_n3A, %mul3A_32 : vector<256x128xf32>
    %add3A_34 = vector.broadcast %sub3A_26 : vector<1x128xf32> to vector<256x128xf32>
    %add3A_35 = arith.addf %mul3A_33, %add3A_34 : vector<256x128xf32>
    %get3A_36 = arith.constant 0 : index
    %get3A_37 = arith.constant 0 : index
    %get3A_38 = arith.constant 0 : index
    %get3A_39 = vector.load %arg2[%get3A_36, %get3A_37, %get3A_38] : memref<2x256x128xf32, #tpu.memory_space<vmem>>, vector<1x256x128xf32>
    %get3A_40 = vector.shape_cast %get3A_39 : vector<1x256x128xf32> to vector<256x128xf32>
    %get3A_41 = arith.constant 1 : index
    %get3A_42 = arith.constant 0 : index
    %get3A_43 = arith.constant 0 : index
    %get3A_44 = vector.load %arg2[%get3A_41, %get3A_42, %get3A_43] : memref<2x256x128xf32, #tpu.memory_space<vmem>>, vector<1x256x128xf32>
    %get3A_45 = vector.shape_cast %get3A_44 : vector<1x256x128xf32> to vector<256x128xf32>
    %add3A_46 = arith.addf %get3A_40, %get3A_45 : vector<256x128xf32>
    %jit3A_47 = arith.constant 0.000000e+00 : f32
    %broadcast_in_dim3A_48 = vector.shape_cast %lt3A_3 : vector<256x1xi1> to vector<256x1xi1>
    %broadcast_in_dim3A_49 = vector.broadcast %broadcast_in_dim3A_48 : vector<256x1xi1> to vector<256x128xi1>
    %broadcast_in_dim3A_50 = vector.broadcast %jit3A_47 : f32 to vector<256x128xf32>
    %select_n3A_51 = arith.select %broadcast_in_dim3A_49, %add3A_46, %broadcast_in_dim3A_50 : vector<256x128xi1>, vector<256x128xf32>
    %get3A_52 = arith.constant 0 : index
    %get3A_53 = arith.constant 0 : index
    %get3A_54 = arith.constant 0 : index
    %get3A_55 = vector.load %arg3[%get3A_52, %get3A_53, %get3A_54] : memref<2x256x128xf32, #tpu.memory_space<vmem>>, vector<1x256x128xf32>
    %get3A_56 = vector.shape_cast %get3A_55 : vector<1x256x128xf32> to vector<256x128xf32>
    %get3A_57 = arith.constant 1 : index
    %get3A_58 = arith.constant 0 : index
    %get3A_59 = arith.constant 0 : index
    %get3A_60 = vector.load %arg3[%get3A_57, %get3A_58, %get3A_59] : memref<2x256x128xf32, #tpu.memory_space<vmem>>, vector<1x256x128xf32>
    %get3A_61 = vector.shape_cast %get3A_60 : vector<1x256x128xf32> to vector<256x128xf32>
    %add3A_62 = arith.addf %get3A_56, %get3A_61 : vector<256x128xf32>
    %jit3A_63 = arith.constant 0.000000e+00 : f32
    %broadcast_in_dim3A_64 = vector.shape_cast %lt3A_3 : vector<256x1xi1> to vector<256x1xi1>
    %broadcast_in_dim3A_65 = vector.broadcast %broadcast_in_dim3A_64 : vector<256x1xi1> to vector<256x128xi1>
    %broadcast_in_dim3A_66 = vector.broadcast %jit3A_63 : f32 to vector<256x128xf32>
    %select_n3A_67 = arith.select %broadcast_in_dim3A_65, %add3A_62, %broadcast_in_dim3A_66 : vector<256x128xi1>, vector<256x128xf32>
    %slice3A = vector.extract_strided_slice %select_n3A_67 {offsets = [0, 0], sizes = [256, 16], strides = [1, 1]} : vector<256x128xf32> to vector<256x16xf32>
    %slice3A_68 = vector.extract_strided_slice %select_n3A_67 {offsets = [0, 16], sizes = [256, 1], strides = [1, 1]} : vector<256x128xf32> to vector<256x1xf32>
    %mul3A_69 = vector.broadcast %div3A_21 : vector<1x128xf32> to vector<256x128xf32>
    %mul3A_70 = arith.mulf %select_n3A_51, %mul3A_69 : vector<256x128xf32>
    %mul3A_71 = vector.broadcast %slice3A_68 : vector<256x1xf32> to vector<256x128xf32>
    %mul3A_72 = vector.broadcast %sub3A_26 : vector<1x128xf32> to vector<256x128xf32>
    %mul3A_73 = arith.mulf %mul3A_71, %mul3A_72 : vector<256x128xf32>
    %add3A_74 = arith.addf %mul3A_70, %mul3A_73 : vector<256x128xf32>
    %get3A_75 = arith.constant 0 : index
    %get3A_76 = arith.constant 0 : index
    %get3A_77 = vector.load %arg7[%get3A_75, %get3A_76] : memref<128x8xf32, #tpu.memory_space<vmem>>, vector<128x8xf32>
    %dot_general3A = arith.constant dense<0.000000e+00> : vector<256x8xf32>
    %dot_general3A_78 = tpu.matmul %add3A_35, %get3A_77, %dot_general3A {dimension_numbers = #tpu.dot_dimension_numbers<[1], [0], [0], [1], [0, 0, 1, 1], [], []>, transpose_lhs_hint = false} : vector<256x128xf32>, vector<128x8xf32>, vector<256x8xf32> -> vector<256x8xf32>
    %iota3A_79 = tpu.iota {dimensions = array<i32: 1>} : vector<256x8xi32>
    %reduce_max3A = arith.constant dense<0xFF800000> : vector<256xf32>
    %reduce_max3A_80 = vector.multi_reduction <maximumf>, %dot_general3A_78, %reduce_max3A [1] : vector<256x8xf32> to vector<256xf32>
    %broadcast_in_dim3A_81 = vector.shape_cast %reduce_max3A_80 : vector<256xf32> to vector<256x1xf32>
    %eq3A = vector.broadcast %broadcast_in_dim3A_81 : vector<256x1xf32> to vector<256x8xf32>
    %eq3A_82 = arith.cmpf oeq, %dot_general3A_78, %eq3A : vector<256x8xf32>
    %jit3A_83 = arith.constant 8 : i32
    %broadcast_in_dim3A_84 = vector.broadcast %jit3A_83 : i32 to vector<256x8xi32>
    %select_n3A_85 = arith.select %eq3A_82, %iota3A_79, %broadcast_in_dim3A_84 : vector<256x8xi1>, vector<256x8xi32>
    %reduce_min3A = arith.constant dense<2147483647> : vector<256xi32>
    %reduce_min3A_86 = vector.multi_reduction <minsi>, %select_n3A_85, %reduce_min3A [1] : vector<256x8xi32> to vector<256xi32>
    %broadcast_in_dim3A_87 = vector.shape_cast %reduce_min3A_86 : vector<256xi32> to vector<256x1xi32>
    %eq3A_88 = vector.broadcast %broadcast_in_dim3A_87 : vector<256x1xi32> to vector<256x8xi32>
    %eq3A_89 = arith.cmpi eq, %iota3A_79, %eq3A_88 : vector<256x8xi32>
    %jit3A_90 = arith.constant 0xFF800000 : f32
    %broadcast_in_dim3A_91 = vector.broadcast %jit3A_90 : f32 to vector<256x8xf32>
    %select_n3A_92 = arith.select %eq3A_89, %broadcast_in_dim3A_91, %dot_general3A_78 : vector<256x8xi1>, vector<256x8xf32>
    %reduce_max3A_93 = arith.constant dense<0xFF800000> : vector<256xf32>
    %reduce_max3A_94 = vector.multi_reduction <maximumf>, %select_n3A_92, %reduce_max3A_93 [1] : vector<256x8xf32> to vector<256xf32>
    %broadcast_in_dim3A_95 = vector.shape_cast %reduce_max3A_94 : vector<256xf32> to vector<256x1xf32>
    %eq3A_96 = vector.broadcast %broadcast_in_dim3A_95 : vector<256x1xf32> to vector<256x8xf32>
    %eq3A_97 = arith.cmpf oeq, %select_n3A_92, %eq3A_96 : vector<256x8xf32>
    %jit3A_98 = arith.constant 8 : i32
    %broadcast_in_dim3A_99 = vector.broadcast %jit3A_98 : i32 to vector<256x8xi32>
    %select_n3A_100 = arith.select %eq3A_97, %iota3A_79, %broadcast_in_dim3A_99 : vector<256x8xi1>, vector<256x8xi32>
    %reduce_min3A_101 = arith.constant dense<2147483647> : vector<256xi32>
    %reduce_min3A_102 = vector.multi_reduction <minsi>, %select_n3A_100, %reduce_min3A_101 [1] : vector<256x8xi32> to vector<256xi32>
    %broadcast_in_dim3A_103 = vector.shape_cast %reduce_min3A_102 : vector<256xi32> to vector<256x1xi32>
    %sub3A_104 = arith.subf %broadcast_in_dim3A_95, %broadcast_in_dim3A_81 : vector<256x1xf32>
    %exp3A = math.exp %sub3A_104 : vector<256x1xf32>
    %add3A_105 = arith.constant 1.000000e+00 : f32
    %add3A_106 = vector.broadcast %add3A_105 : f32 to vector<256x1xf32>
    %add3A_107 = arith.addf %add3A_106, %exp3A : vector<256x1xf32>
    %div3A_108 = arith.constant 1.000000e+00 : f32
    %div3A_109 = vector.broadcast %div3A_108 : f32 to vector<256x1xf32>
    %div3A_110 = arith.divf %div3A_109, %add3A_107 : vector<256x1xf32>
    %sub3A_111 = arith.constant 1.000000e+00 : f32
    %sub3A_112 = vector.broadcast %sub3A_111 : f32 to vector<256x1xf32>
    %sub3A_113 = arith.subf %sub3A_112, %div3A_110 : vector<256x1xf32>
    %concatenate3A = tpu.concatenate %broadcast_in_dim3A_87, %broadcast_in_dim3A_103 in 1 : vector<256x1xi32>, vector<256x1xi32> -> vector<256x2xi32>
    %swap3A = arith.constant 0 : index
    %swap3A_114 = arith.constant 0 : index
    %swap3A_115 = vector.load %arg12[%swap3A, %swap3A_114] : memref<256x2xi32, #tpu.memory_space<vmem>>, vector<256x2xi32>
    tpu.vector_store %arg12[%swap3A, %swap3A_114], %concatenate3A {strides = array<i32>} : memref<256x2xi32, #tpu.memory_space<vmem>>, vector<256x2xi32>,
    %eq3A_116 = vector.broadcast %broadcast_in_dim3A_87 : vector<256x1xi32> to vector<256x8xi32>
    %eq3A_117 = arith.cmpi eq, %iota3A_79, %eq3A_116 : vector<256x8xi32>
    %jit3A_118 = arith.constant 0.000000e+00 : f32
    %broadcast_in_dim3A_119 = vector.shape_cast %div3A_110 : vector<256x1xf32> to vector<256x1xf32>
    %broadcast_in_dim3A_120 = vector.broadcast %broadcast_in_dim3A_119 : vector<256x1xf32> to vector<256x8xf32>
    %broadcast_in_dim3A_121 = vector.broadcast %jit3A_118 : f32 to vector<256x8xf32>
    %select_n3A_122 = arith.select %eq3A_117, %broadcast_in_dim3A_120, %broadcast_in_dim3A_121 : vector<256x8xi1>, vector<256x8xf32>
    %eq3A_123 = vector.broadcast %broadcast_in_dim3A_103 : vector<256x1xi32> to vector<256x8xi32>
    %eq3A_124 = arith.cmpi eq, %iota3A_79, %eq3A_123 : vector<256x8xi32>
    %jit3A_125 = arith.constant 0.000000e+00 : f32
    %broadcast_in_dim3A_126 = vector.shape_cast %sub3A_113 : vector<256x1xf32> to vector<256x1xf32>
    %broadcast_in_dim3A_127 = vector.broadcast %broadcast_in_dim3A_126 : vector<256x1xf32> to vector<256x8xf32>
    %broadcast_in_dim3A_128 = vector.broadcast %jit3A_125 : f32 to vector<256x8xf32>
    %select_n3A_129 = arith.select %eq3A_124, %broadcast_in_dim3A_127, %broadcast_in_dim3A_128 : vector<256x8xi1>, vector<256x8xf32>
    %add3A_130 = arith.addf %select_n3A_122, %select_n3A_129 : vector<256x8xf32>
    %jit3A_131 = arith.constant 0.000000e+00 : f32
    %broadcast_in_dim3A_132 = vector.shape_cast %lt3A_3 : vector<256x1xi1> to vector<256x1xi1>
    %broadcast_in_dim3A_133 = vector.broadcast %broadcast_in_dim3A_132 : vector<256x1xi1> to vector<256x8xi1>
    %broadcast_in_dim3A_134 = vector.broadcast %jit3A_131 : f32 to vector<256x8xf32>
    %select_n3A_135 = arith.select %broadcast_in_dim3A_133, %add3A_130, %broadcast_in_dim3A_134 : vector<256x8xi1>, vector<256x8xf32>
    %eq3A_136 = arith.constant 0 : i32
    %eq3A_137 = arith.cmpi eq, %arg0, %eq3A_136 : i32
    %convert_element_type3A = arith.extui %eq3A_137 : i1 to i32
    %cond3A = arith.constant 0 : i32
    %cond3A_138 = arith.cmpi ne, %convert_element_type3A, %cond3A : i32
    scf.if %cond3A_138 {
      %broadcast_in_dim3A_235 = arith.constant 0.000000e+00 : f32
      %broadcast_in_dim3A_236 = vector.broadcast %broadcast_in_dim3A_235 : f32 to vector<1x8xf32>
      %swap3A_237 = arith.constant 0 : index
      %swap3A_238 = arith.constant 0 : index
      %swap3A_239 = vector.load %arg13[%swap3A_237, %swap3A_238] : memref<1x8xf32, #tpu.memory_space<vmem>>, vector<1x8xf32>
      tpu.vector_store %arg13[%swap3A_237, %swap3A_238], %broadcast_in_dim3A_236 {strides = array<i32>} : memref<1x8xf32, #tpu.memory_space<vmem>>, vector<1x8xf32>,
      %broadcast_in_dim3A_240 = arith.constant 0.000000e+00 : f32
      %broadcast_in_dim3A_241 = vector.broadcast %broadcast_in_dim3A_240 : f32 to vector<2x256xf32>
      %swap3A_242 = arith.constant 0 : index
      %swap3A_243 = arith.constant 0 : index
      %swap3A_244 = vector.load %arg15[%swap3A_242, %swap3A_243] : memref<2x256xf32, #tpu.memory_space<vmem>>, vector<2x256xf32>
      tpu.vector_store %arg15[%swap3A_242, %swap3A_243], %broadcast_in_dim3A_241 {strides = array<i32>} : memref<2x256xf32, #tpu.memory_space<vmem>>, vector<2x256xf32>,
    } else {
    }
    %get3A_139 = arith.constant 0 : index
    %get3A_140 = arith.constant 0 : index
    %get3A_141 = vector.load %arg13[%get3A_139, %get3A_140] : memref<1x8xf32, #tpu.memory_space<vmem>>, vector<1x8xf32>
    %reduce_sum3A = arith.constant dense<0.000000e+00> : vector<8xf32>
    %reduce_sum3A_142 = vector.multi_reduction <add>, %select_n3A_135, %reduce_sum3A [0] : vector<256x8xf32> to vector<8xf32>
    %broadcast_in_dim3A_143 = vector.shape_cast %reduce_sum3A_142 : vector<8xf32> to vector<1x8xf32>
    %add3A_144 = arith.addf %get3A_141, %broadcast_in_dim3A_143 : vector<1x8xf32>
    %swap3A_145 = arith.constant 0 : index
    %swap3A_146 = arith.constant 0 : index
    %swap3A_147 = vector.load %arg13[%swap3A_145, %swap3A_146] : memref<1x8xf32, #tpu.memory_space<vmem>>, vector<1x8xf32>
    tpu.vector_store %arg13[%swap3A_145, %swap3A_146], %add3A_144 {strides = array<i32>} : memref<1x8xf32, #tpu.memory_space<vmem>>, vector<1x8xf32>,
    %concatenate3A_148 = tpu.concatenate %add3A_35, %add3A_74, %slice3A in 1 : vector<256x128xf32>, vector<256x128xf32>, vector<256x16xf32> -> vector<256x272xf32>
    %get3A_149 = arith.constant 0 : index
    %get3A_150 = arith.constant 0 : index
    %get3A_151 = vector.load %arg8[%get3A_149, %get3A_150] : memref<272x2048xf32, #tpu.memory_space<vmem>>, vector<272x2048xf32>
    %dot_general3A_152 = arith.constant dense<0.000000e+00> : vector<256x2048xf32>
    %dot_general3A_153 = tpu.matmul %concatenate3A_148, %get3A_151, %dot_general3A_152 {dimension_numbers = #tpu.dot_dimension_numbers<[1], [0], [0], [1], [0, 0, 1, 1], [], []>, transpose_lhs_hint = false} : vector<256x272xf32>, vector<272x2048xf32>, vector<256x2048xf32> -> vector<256x2048xf32>
    %get3A_154 = arith.constant 0 : index
    %get3A_155 = arith.constant 0 : index
    %get3A_156 = vector.load %arg9[%get3A_154, %get3A_155] : memref<1x2048xf32, #tpu.memory_space<vmem>>, vector<1x2048xf32>
    %add3A_157 = vector.broadcast %get3A_156 : vector<1x2048xf32> to vector<256x2048xf32>
    %add3A_158 = arith.addf %dot_general3A_153, %add3A_157 : vector<256x2048xf32>
    %max3A = arith.constant 0.000000e+00 : f32
    %max3A_159 = vector.broadcast %max3A : f32 to vector<256x2048xf32>
    %max3A_160 = arith.maximumf %add3A_158, %max3A_159 : vector<256x2048xf32>
    %convert_element_type3A_161 = arith.truncf %max3A_160 : vector<256x2048xf32> to vector<256x2048xbf16>
    %convert_element_type3A_162 = arith.extf %convert_element_type3A_161 : vector<256x2048xbf16> to vector<256x2048xf32>
    %convert_element_type3A_163 = arith.truncf %select_n3A_135 : vector<256x8xf32> to vector<256x8xbf16>
    %convert_element_type3A_164 = arith.extf %convert_element_type3A_163 : vector<256x8xbf16> to vector<256x8xf32>
    %broadcast_in_dim3A_165 = arith.constant 0.000000e+00 : f32
    %broadcast_in_dim3A_166 = vector.broadcast %broadcast_in_dim3A_165 : f32 to vector<256x256xf32>
    %slice3A_167 = vector.extract_strided_slice %convert_element_type3A_164 {offsets = [0, 0], sizes = [256, 1], strides = [1, 1]} : vector<256x8xf32> to vector<256x1xf32>
    %slice3A_168 = vector.extract_strided_slice %convert_element_type3A_162 {offsets = [0, 0], sizes = [256, 256], strides = [1, 1]} : vector<256x2048xf32> to vector<256x256xf32>
    %mul3A_169 = vector.broadcast %slice3A_167 : vector<256x1xf32> to vector<256x256xf32>
    %mul3A_170 = arith.mulf %mul3A_169, %slice3A_168 : vector<256x256xf32>
    %add3A_171 = arith.addf %broadcast_in_dim3A_166, %mul3A_170 : vector<256x256xf32>
    %slice3A_172 = vector.extract_strided_slice %convert_element_type3A_164 {offsets = [0, 1], sizes = [256, 1], strides = [1, 1]} : vector<256x8xf32> to vector<256x1xf32>
    %slice3A_173 = vector.extract_strided_slice %convert_element_type3A_162 {offsets = [0, 256], sizes = [256, 256], strides = [1, 1]} : vector<256x2048xf32> to vector<256x256xf32>
    %mul3A_174 = vector.broadcast %slice3A_172 : vector<256x1xf32> to vector<256x256xf32>
    %mul3A_175 = arith.mulf %mul3A_174, %slice3A_173 : vector<256x256xf32>
    %add3A_176 = arith.addf %add3A_171, %mul3A_175 : vector<256x256xf32>
    %slice3A_177 = vector.extract_strided_slice %convert_element_type3A_164 {offsets = [0, 2], sizes = [256, 1], strides = [1, 1]} : vector<256x8xf32> to vector<256x1xf32>
    %slice3A_178 = vector.extract_strided_slice %convert_element_type3A_162 {offsets = [0, 512], sizes = [256, 256], strides = [1, 1]} : vector<256x2048xf32> to vector<256x256xf32>
    %mul3A_179 = vector.broadcast %slice3A_177 : vector<256x1xf32> to vector<256x256xf32>
    %mul3A_180 = arith.mulf %mul3A_179, %slice3A_178 : vector<256x256xf32>
    %add3A_181 = arith.addf %add3A_176, %mul3A_180 : vector<256x256xf32>
    %slice3A_182 = vector.extract_strided_slice %convert_element_type3A_164 {offsets = [0, 3], sizes = [256, 1], strides = [1, 1]} : vector<256x8xf32> to vector<256x1xf32>
    %slice3A_183 = vector.extract_strided_slice %convert_element_type3A_162 {offsets = [0, 768], sizes = [256, 256], strides = [1, 1]} : vector<256x2048xf32> to vector<256x256xf32>
    %mul3A_184 = vector.broadcast %slice3A_182 : vector<256x1xf32> to vector<256x256xf32>
    %mul3A_185 = arith.mulf %mul3A_184, %slice3A_183 : vector<256x256xf32>
    %add3A_186 = arith.addf %add3A_181, %mul3A_185 : vector<256x256xf32>
    %slice3A_187 = vector.extract_strided_slice %convert_element_type3A_164 {offsets = [0, 4], sizes = [256, 1], strides = [1, 1]} : vector<256x8xf32> to vector<256x1xf32>
    %slice3A_188 = vector.extract_strided_slice %convert_element_type3A_162 {offsets = [0, 1024], sizes = [256, 256], strides = [1, 1]} : vector<256x2048xf32> to vector<256x256xf32>
    %mul3A_189 = vector.broadcast %slice3A_187 : vector<256x1xf32> to vector<256x256xf32>
    %mul3A_190 = arith.mulf %mul3A_189, %slice3A_188 : vector<256x256xf32>
    %add3A_191 = arith.addf %add3A_186, %mul3A_190 : vector<256x256xf32>
    %slice3A_192 = vector.extract_strided_slice %convert_element_type3A_164 {offsets = [0, 5], sizes = [256, 1], strides = [1, 1]} : vector<256x8xf32> to vector<256x1xf32>
    %slice3A_193 = vector.extract_strided_slice %convert_element_type3A_162 {offsets = [0, 1280], sizes = [256, 256], strides = [1, 1]} : vector<256x2048xf32> to vector<256x256xf32>
    %mul3A_194 = vector.broadcast %slice3A_192 : vector<256x1xf32> to vector<256x256xf32>
    %mul3A_195 = arith.mulf %mul3A_194, %slice3A_193 : vector<256x256xf32>
    %add3A_196 = arith.addf %add3A_191, %mul3A_195 : vector<256x256xf32>
    %slice3A_197 = vector.extract_strided_slice %convert_element_type3A_164 {offsets = [0, 6], sizes = [256, 1], strides = [1, 1]} : vector<256x8xf32> to vector<256x1xf32>
    %slice3A_198 = vector.extract_strided_slice %convert_element_type3A_162 {offsets = [0, 1536], sizes = [256, 256], strides = [1, 1]} : vector<256x2048xf32> to vector<256x256xf32>
    %mul3A_199 = vector.broadcast %slice3A_197 : vector<256x1xf32> to vector<256x256xf32>
    %mul3A_200 = arith.mulf %mul3A_199, %slice3A_198 : vector<256x256xf32>
    %add3A_201 = arith.addf %add3A_196, %mul3A_200 : vector<256x256xf32>
    %slice3A_202 = vector.extract_strided_slice %convert_element_type3A_164 {offsets = [0, 7], sizes = [256, 1], strides = [1, 1]} : vector<256x8xf32> to vector<256x1xf32>
    %slice3A_203 = vector.extract_strided_slice %convert_element_type3A_162 {offsets = [0, 1792], sizes = [256, 256], strides = [1, 1]} : vector<256x2048xf32> to vector<256x256xf32>
    %mul3A_204 = vector.broadcast %slice3A_202 : vector<256x1xf32> to vector<256x256xf32>
    %mul3A_205 = arith.mulf %mul3A_204, %slice3A_203 : vector<256x256xf32>
    %add3A_206 = arith.addf %add3A_201, %mul3A_205 : vector<256x256xf32>
    %slice3A_207 = vector.extract_strided_slice %add3A_206 {offsets = [0, 0], sizes = [256, 128], strides = [1, 1]} : vector<256x256xf32> to vector<256x128xf32>
    %swap3A_208 = arith.constant 0 : index
    %swap3A_209 = arith.constant 0 : index
    %swap3A_210 = vector.load %arg10[%swap3A_208, %swap3A_209] : memref<256x128xf32, #tpu.memory_space<vmem>>, vector<256x128xf32>
    tpu.vector_store %arg10[%swap3A_208, %swap3A_209], %slice3A_207 {strides = array<i32>} : memref<256x128xf32, #tpu.memory_space<vmem>>, vector<256x128xf32>,
    %slice3A_211 = vector.extract_strided_slice %add3A_206 {offsets = [0, 128], sizes = [256, 128], strides = [1, 1]} : vector<256x256xf32> to vector<256x128xf32>
    %swap3A_212 = arith.constant 0 : index
    %swap3A_213 = arith.constant 0 : index
    %swap3A_214 = vector.load %arg11[%swap3A_212, %swap3A_213] : memref<256x128xf32, #tpu.memory_space<vmem>>, vector<256x128xf32>
    tpu.vector_store %arg11[%swap3A_212, %swap3A_213], %slice3A_211 {strides = array<i32>} : memref<256x128xf32, #tpu.memory_space<vmem>>, vector<256x128xf32>,
    %get3A_215 = arith.constant 0 : index
    %get3A_216 = arith.constant 0 : index
    %get3A_217 = vector.load %arg15[%get3A_215, %get3A_216] : memref<2x256xf32, #tpu.memory_space<vmem>>, vector<2x256xf32>
    %reduce_sum3A_218 = arith.constant dense<0.000000e+00> : vector<256xf32>
    %reduce_sum3A_219 = vector.multi_reduction <add>, %add3A_206, %reduce_sum3A_218 [0] : vector<256x256xf32> to vector<256xf32>
    %broadcast_in_dim3A_220 = vector.shape_cast %reduce_sum3A_219 : vector<256xf32> to vector<1x256xf32>
    %mul3A_221 = arith.mulf %add3A_206, %add3A_206 : vector<256x256xf32>
    %reduce_sum3A_222 = arith.constant dense<0.000000e+00> : vector<256xf32>
    %reduce_sum3A_223 = vector.multi_reduction <add>, %mul3A_221, %reduce_sum3A_222 [0] : vector<256x256xf32> to vector<256xf32>
    %broadcast_in_dim3A_224 = vector.shape_cast %reduce_sum3A_223 : vector<256xf32> to vector<1x256xf32>
    %concatenate3A_225 = tpu.concatenate %broadcast_in_dim3A_220, %broadcast_in_dim3A_224 in 0 : vector<1x256xf32>, vector<1x256xf32> -> vector<2x256xf32>
    %add3A_226 = arith.addf %get3A_217, %concatenate3A_225 : vector<2x256xf32>
    %swap3A_227 = arith.constant 0 : index
    %swap3A_228 = arith.constant 0 : index
    %swap3A_229 = vector.load %arg15[%swap3A_227, %swap3A_228] : memref<2x256xf32, #tpu.memory_space<vmem>>, vector<2x256xf32>
    tpu.vector_store %arg15[%swap3A_227, %swap3A_228], %add3A_226 {strides = array<i32>} : memref<2x256xf32, #tpu.memory_space<vmem>>, vector<2x256xf32>,
    %eq3A_230 = arith.constant 39 : i32
    %eq3A_231 = arith.cmpi eq, %arg0, %eq3A_230 : i32
    %convert_element_type3A_232 = arith.extui %eq3A_231 : i1 to i32
    %cond3A_233 = arith.constant 0 : i32
    %cond3A_234 = arith.cmpi ne, %convert_element_type3A_232, %cond3A_233 : i32
    scf.if %cond3A_234 {
      %get3A_235 = arith.constant 0 : index
      %get3A_236 = arith.constant 0 : index
      %get3A_237 = vector.load %arg13[%get3A_235, %get3A_236] : memref<1x8xf32, #tpu.memory_space<vmem>>, vector<1x8xf32>
      %reduce_sum3A_238 = vector.shape_cast %get3A_237 : vector<1x8xf32> to vector<1x1x8xf32>
      %reduce_sum3A_239 = arith.constant dense<0.000000e+00> : vector<1xf32>
      %reduce_sum3A_240 = vector.multi_reduction <add>, %reduce_sum3A_238, %reduce_sum3A_239 [1, 2] : vector<1x1x8xf32> to vector<1xf32>
      %reduce_sum3A_241 = vector.shape_cast %reduce_sum3A_240 : vector<1xf32> to vector<1x1x1xf32>
      %reduce_sum3A_242 = vector.extract %reduce_sum3A_241[0, 0, 0] : f32 from vector<1x1x1xf32>
      %div3A_243 = arith.constant 8.000000e+00 : f32
      %div3A_244 = arith.divf %reduce_sum3A_242, %div3A_243 : f32
      %sub3A_245 = vector.broadcast %div3A_244 : f32 to vector<1x8xf32>
      %sub3A_246 = arith.subf %get3A_237, %sub3A_245 : vector<1x8xf32>
      %integer_pow3A = arith.mulf %sub3A_246, %sub3A_246 : vector<1x8xf32>
      %reduce_sum3A_247 = vector.shape_cast %integer_pow3A : vector<1x8xf32> to vector<1x1x8xf32>
      %reduce_sum3A_248 = arith.constant dense<0.000000e+00> : vector<1xf32>
      %reduce_sum3A_249 = vector.multi_reduction <add>, %reduce_sum3A_247, %reduce_sum3A_248 [1, 2] : vector<1x1x8xf32> to vector<1xf32>
      %reduce_sum3A_250 = vector.shape_cast %reduce_sum3A_249 : vector<1xf32> to vector<1x1x1xf32>
      %reduce_sum3A_251 = vector.extract %reduce_sum3A_250[0, 0, 0] : f32 from vector<1x1x1xf32>
      %div3A_252 = arith.constant 8.000000e+00 : f32
      %div3A_253 = arith.divf %reduce_sum3A_251, %div3A_252 : f32
      %mul3A_254 = arith.mulf %div3A_244, %div3A_244 : f32
      %add3A_255 = arith.constant 1.000000e-10 : f32
      %add3A_256 = arith.addf %mul3A_254, %add3A_255 : f32
      %div3A_257 = arith.divf %div3A_253, %add3A_256 : f32
      %reshape3A = vector.broadcast %div3A_257 : f32 to vector<1x1xf32>
      %swap3A_258 = arith.constant 0 : index
      %swap3A_259 = arith.constant 0 : index
      %swap3A_260 = vector.load %arg14[%swap3A_258, %swap3A_259] : memref<1x1xf32, #tpu.memory_space<vmem>>, vector<1x1xf32>
      tpu.vector_store %arg14[%swap3A_258, %swap3A_259], %reshape3A {strides = array<i32>} : memref<1x1xf32, #tpu.memory_space<vmem>>, vector<1x1xf32>,
    } else {
    }
    return
  }
  func.func @transform_0(%arg0: i32) -> (i32, i32) {
    %c0_i32 = arith.constant 0 : i32
    %c0_i32_0 = arith.constant 0 : i32
    return %arg0, %c0_i32 : i32, i32
  }
  func.func @transform_1(%arg0: i32) -> (i32, i32, i32) {
    %c0_i32 = arith.constant 0 : i32
    %c0_i32_0 = arith.constant 0 : i32
    %c0_i32_1 = arith.constant 0 : i32
    return %c0_i32, %arg0, %c0_i32_0 : i32, i32, i32
  }
  func.func @transform_2(%arg0: i32) -> (i32, i32, i32) {
    %c0_i32 = arith.constant 0 : i32
    %c0_i32_0 = arith.constant 0 : i32
    %c0_i32_1 = arith.constant 0 : i32
    return %c0_i32, %arg0, %c0_i32_0 : i32, i32, i32
  }
  func.func @transform_3(%arg0: i32) -> (i32, i32) {
    %c0_i32 = arith.constant 0 : i32
    %c0_i32_0 = arith.constant 0 : i32
    %c0_i32_1 = arith.constant 0 : i32
    return %c0_i32, %c0_i32_0 : i32, i32
  }
  func.func @transform_4(%arg0: i32) -> (i32, i32) {
    %c0_i32 = arith.constant 0 : i32
    %c0_i32_0 = arith.constant 0 : i32
    %c0_i32_1 = arith.constant 0 : i32
    return %c0_i32, %c0_i32_0 : i32, i32
  }
  func.func @transform_5(%arg0: i32) -> (i32, i32) {
    %c0_i32 = arith.constant 0 : i32
    %c0_i32_0 = arith.constant 0 : i32
    %c0_i32_1 = arith.constant 0 : i32
    return %c0_i32, %c0_i32_0 : i32, i32
  }
  func.func @transform_6(%arg0: i32) -> (i32, i32) {
    %c0_i32 = arith.constant 0 : i32
    %c0_i32_0 = arith.constant 0 : i32
    %c0_i32_1 = arith.constant 0 : i32
    return %c0_i32, %c0_i32_0 : i32, i32
  }
  func.func @transform_7(%arg0: i32) -> (i32, i32) {
    %c0_i32 = arith.constant 0 : i32
    %c0_i32_0 = arith.constant 0 : i32
    %c0_i32_1 = arith.constant 0 : i32
    return %c0_i32, %c0_i32_0 : i32, i32
  }
  func.func @transform_8(%arg0: i32) -> (i32, i32) {
    %c0_i32 = arith.constant 0 : i32
    %c0_i32_0 = arith.constant 0 : i32
    %c0_i32_1 = arith.constant 0 : i32
    return %c0_i32, %c0_i32_0 : i32, i32
  }
  func.func @transform_9(%arg0: i32) -> (i32, i32) {
    %c0_i32 = arith.constant 0 : i32
    %c0_i32_0 = arith.constant 0 : i32
    return %arg0, %c0_i32 : i32, i32
  }
  func.func @transform_10(%arg0: i32) -> (i32, i32) {
    %c0_i32 = arith.constant 0 : i32
    %c0_i32_0 = arith.constant 0 : i32
    return %arg0, %c0_i32 : i32, i32
  }
  func.func @transform_11(%arg0: i32) -> (i32, i32) {
    %c0_i32 = arith.constant 0 : i32
    %c0_i32_0 = arith.constant 0 : i32
    return %arg0, %c0_i32 : i32, i32
  }
  func.func @transform_12(%arg0: i32) -> (i32, i32) {
    %c0_i32 = arith.constant 0 : i32
    %c0_i32_0 = arith.constant 0 : i32
    %c0_i32_1 = arith.constant 0 : i32
    return %c0_i32, %c0_i32_0 : i32, i32
  }
  func.func @transform_13(%arg0: i32) -> (i32, i32) {
    %c0_i32 = arith.constant 0 : i32
    %c0_i32_0 = arith.constant 0 : i32
    %c0_i32_1 = arith.constant 0 : i32
    return %c0_i32, %c0_i32_0 : i32, i32
  }
  func.func @transform_14(%arg0: i32) -> (i32, i32) {
    %c0_i32 = arith.constant 0 : i32
    %c0_i32_0 = arith.constant 0 : i32
    %c0_i32_1 = arith.constant 0 : i32
    return %c0_i32, %c0_i32_0 : i32, i32
  }
}

module attributes {stable_mosaic.version = 14 : i64} {
  func.func @_expert_body(%arg0: i32, %arg1: memref<256x128xf32, #tpu.memory_space<vmem>>, %arg2: memref<256x128xf32, #tpu.memory_space<vmem>>, %arg3: memref<2x256x128xf32, #tpu.memory_space<vmem>>, %arg4: memref<2x256x128xf32, #tpu.memory_space<vmem>>, %arg5: memref<2x256x128xf32, #tpu.memory_space<vmem>>, %arg6: memref<2x256xf32, #tpu.memory_space<vmem>>, %arg7: memref<1x256xf32, #tpu.memory_space<vmem>>, %arg8: memref<1x256xf32, #tpu.memory_space<vmem>>, %arg9: memref<256x8xf32, #tpu.memory_space<vmem>>, %arg10: memref<528x1024xf32, #tpu.memory_space<vmem>>, %arg11: memref<1x1024xf32, #tpu.memory_space<vmem>>, %arg12: memref<256x128xf32, #tpu.memory_space<vmem>>, %arg13: memref<256x2xi32, #tpu.memory_space<vmem>>, %arg14: memref<1x8xf32, #tpu.memory_space<vmem>>, %arg15: memref<1x1xf32, #tpu.memory_space<vmem>>, %arg16: memref<2x128xf32, #tpu.memory_space<vmem>>) attributes {dimension_semantics = [#tpu.dimension_semantics<arbitrary>], iteration_bounds = array<i64: 40>, scalar_prefetch = 0 : i64, scratch_operands = 0 : i64, tpu.core_type = #tpu.core_type<tc>, window_params = [{transform_indices = @transform_0, window_bounds = array<i64: 256, 128>}, {transform_indices = @transform_1, window_bounds = array<i64: 256, 128>}, {transform_indices = @transform_2, window_bounds = array<i64: 2, 256, 128>}, {transform_indices = @transform_3, window_bounds = array<i64: 2, 256, 128>}, {transform_indices = @transform_4, window_bounds = array<i64: 2, 256, 128>}, {pipeline_mode = #tpu.pipeline_mode<synchronous>, transform_indices = @transform_5, window_bounds = array<i64: 2, 256>}, {pipeline_mode = #tpu.pipeline_mode<synchronous>, transform_indices = @transform_6, window_bounds = array<i64: 1, 256>}, {pipeline_mode = #tpu.pipeline_mode<synchronous>, transform_indices = @transform_7, window_bounds = array<i64: 1, 256>}, {pipeline_mode = #tpu.pipeline_mode<synchronous>, transform_indices = @transform_8, window_bounds = array<i64: 256, 8>}, {pipeline_mode = #tpu.pipeline_mode<synchronous>, transform_indices = @transform_9, window_bounds = array<i64: 528, 1024>}, {pipeline_mode = #tpu.pipeline_mode<synchronous>, transform_indices = @transform_10, window_bounds = array<i64: 1, 1024>}, {transform_indices = @transform_11, window_bounds = array<i64: 256, 128>}, {transform_indices = @transform_12, window_bounds = array<i64: 256, 2>}, {pipeline_mode = #tpu.pipeline_mode<synchronous>, transform_indices = @transform_13, window_bounds = array<i64: 1, 8>}, {pipeline_mode = #tpu.pipeline_mode<synchronous>, transform_indices = @transform_14, window_bounds = array<i64: 1, 1>}, {pipeline_mode = #tpu.pipeline_mode<synchronous>, transform_indices = @transform_15, window_bounds = array<i64: 2, 128>}]} {
    %iota3A = tpu.iota {dimensions = array<i32: 0>} : vector<256x1xi32>
    %mul3A = arith.constant 256 : i32
    %mul3A_0 = arith.muli %arg0, %mul3A : i32
    %add3A = vector.broadcast %mul3A_0 : i32 to vector<256x1xi32>
    %add3A_1 = arith.addi %iota3A, %add3A : vector<256x1xi32>
    %lt3A = arith.constant 10000 : i32
    %lt3A_2 = vector.broadcast %lt3A : i32 to vector<256x1xi32>
    %lt3A_3 = arith.cmpi slt, %add3A_1, %lt3A_2 : vector<256x1xi32>
    %get3A = arith.constant 0 : index
    %get3A_4 = arith.constant 0 : index
    %get3A_5 = vector.load %arg6[%get3A, %get3A_4] : memref<2x256xf32, #tpu.memory_space<vmem>>, vector<1x256xf32>
    %div3A = arith.constant 1.000000e+04 : f32
    %div3A_6 = vector.broadcast %div3A : f32 to vector<1x256xf32>
    %div3A_7 = arith.divf %get3A_5, %div3A_6 : vector<1x256xf32>
    %get3A_8 = arith.constant 1 : index
    %get3A_9 = arith.constant 0 : index
    %get3A_10 = vector.load %arg6[%get3A_8, %get3A_9] : memref<2x256xf32, #tpu.memory_space<vmem>>, vector<1x256xf32>
    %div3A_11 = arith.constant 1.000000e+04 : f32
    %div3A_12 = vector.broadcast %div3A_11 : f32 to vector<1x256xf32>
    %div3A_13 = arith.divf %get3A_10, %div3A_12 : vector<1x256xf32>
    %mul3A_14 = arith.mulf %div3A_7, %div3A_7 : vector<1x256xf32>
    %sub3A = arith.subf %div3A_13, %mul3A_14 : vector<1x256xf32>
    %get3A_15 = arith.constant 0 : index
    %get3A_16 = arith.constant 0 : index
    %get3A_17 = vector.load %arg7[%get3A_15, %get3A_16] : memref<1x256xf32, #tpu.memory_space<vmem>>, vector<1x256xf32>
    %add3A_18 = arith.constant 9.99999974E-6 : f32
    %add3A_19 = vector.broadcast %add3A_18 : f32 to vector<1x256xf32>
    %add3A_20 = arith.addf %sub3A, %add3A_19 : vector<1x256xf32>
    %sqrt3A = math.sqrt %add3A_20 : vector<1x256xf32>
    %div3A_21 = arith.divf %get3A_17, %sqrt3A : vector<1x256xf32>
    %get3A_22 = arith.constant 0 : index
    %get3A_23 = arith.constant 0 : index
    %get3A_24 = vector.load %arg8[%get3A_22, %get3A_23] : memref<1x256xf32, #tpu.memory_space<vmem>>, vector<1x256xf32>
    %mul3A_25 = arith.mulf %div3A_7, %div3A_21 : vector<1x256xf32>
    %sub3A_26 = arith.subf %get3A_24, %mul3A_25 : vector<1x256xf32>
    %get3A_27 = arith.constant 0 : index
    %get3A_28 = arith.constant 0 : index
    %get3A_29 = vector.load %arg1[%get3A_27, %get3A_28] : memref<256x128xf32, #tpu.memory_space<vmem>>, vector<256x128xf32>
    %get3A_30 = arith.constant 0 : index
    %get3A_31 = arith.constant 0 : index
    %get3A_32 = vector.load %arg2[%get3A_30, %get3A_31] : memref<256x128xf32, #tpu.memory_space<vmem>>, vector<256x128xf32>
    %concatenate3A = tpu.concatenate %get3A_29, %get3A_32 in 1 : vector<256x128xf32>, vector<256x128xf32> -> vector<256x256xf32>
    %jit3A = arith.constant 0.000000e+00 : f32
    %broadcast_in_dim3A = vector.shape_cast %lt3A_3 : vector<256x1xi1> to vector<256x1xi1>
    %broadcast_in_dim3A_33 = vector.broadcast %broadcast_in_dim3A : vector<256x1xi1> to vector<256x256xi1>
    %broadcast_in_dim3A_34 = vector.broadcast %jit3A : f32 to vector<256x256xf32>
    %select_n3A = arith.select %broadcast_in_dim3A_33, %concatenate3A, %broadcast_in_dim3A_34 : vector<256x256xi1>, vector<256x256xf32>
    %mul3A_35 = vector.broadcast %div3A_21 : vector<1x256xf32> to vector<256x256xf32>
    %mul3A_36 = arith.mulf %select_n3A, %mul3A_35 : vector<256x256xf32>
    %add3A_37 = vector.broadcast %sub3A_26 : vector<1x256xf32> to vector<256x256xf32>
    %add3A_38 = arith.addf %mul3A_36, %add3A_37 : vector<256x256xf32>
    %get3A_39 = arith.constant 0 : index
    %get3A_40 = arith.constant 0 : index
    %get3A_41 = arith.constant 0 : index
    %get3A_42 = vector.load %arg3[%get3A_39, %get3A_40, %get3A_41] : memref<2x256x128xf32, #tpu.memory_space<vmem>>, vector<1x256x128xf32>
    %get3A_43 = vector.shape_cast %get3A_42 : vector<1x256x128xf32> to vector<256x128xf32>
    %get3A_44 = arith.constant 1 : index
    %get3A_45 = arith.constant 0 : index
    %get3A_46 = arith.constant 0 : index
    %get3A_47 = vector.load %arg3[%get3A_44, %get3A_45, %get3A_46] : memref<2x256x128xf32, #tpu.memory_space<vmem>>, vector<1x256x128xf32>
    %get3A_48 = vector.shape_cast %get3A_47 : vector<1x256x128xf32> to vector<256x128xf32>
    %add3A_49 = arith.addf %get3A_43, %get3A_48 : vector<256x128xf32>
    %get3A_50 = arith.constant 0 : index
    %get3A_51 = arith.constant 0 : index
    %get3A_52 = arith.constant 0 : index
    %get3A_53 = vector.load %arg4[%get3A_50, %get3A_51, %get3A_52] : memref<2x256x128xf32, #tpu.memory_space<vmem>>, vector<1x256x128xf32>
    %get3A_54 = vector.shape_cast %get3A_53 : vector<1x256x128xf32> to vector<256x128xf32>
    %get3A_55 = arith.constant 1 : index
    %get3A_56 = arith.constant 0 : index
    %get3A_57 = arith.constant 0 : index
    %get3A_58 = vector.load %arg4[%get3A_55, %get3A_56, %get3A_57] : memref<2x256x128xf32, #tpu.memory_space<vmem>>, vector<1x256x128xf32>
    %get3A_59 = vector.shape_cast %get3A_58 : vector<1x256x128xf32> to vector<256x128xf32>
    %add3A_60 = arith.addf %get3A_54, %get3A_59 : vector<256x128xf32>
    %concatenate3A_61 = tpu.concatenate %add3A_49, %add3A_60 in 1 : vector<256x128xf32>, vector<256x128xf32> -> vector<256x256xf32>
    %jit3A_62 = arith.constant 0.000000e+00 : f32
    %broadcast_in_dim3A_63 = vector.shape_cast %lt3A_3 : vector<256x1xi1> to vector<256x1xi1>
    %broadcast_in_dim3A_64 = vector.broadcast %broadcast_in_dim3A_63 : vector<256x1xi1> to vector<256x256xi1>
    %broadcast_in_dim3A_65 = vector.broadcast %jit3A_62 : f32 to vector<256x256xf32>
    %select_n3A_66 = arith.select %broadcast_in_dim3A_64, %concatenate3A_61, %broadcast_in_dim3A_65 : vector<256x256xi1>, vector<256x256xf32>
    %get3A_67 = arith.constant 0 : index
    %get3A_68 = arith.constant 0 : index
    %get3A_69 = arith.constant 0 : index
    %get3A_70 = vector.load %arg5[%get3A_67, %get3A_68, %get3A_69] : memref<2x256x128xf32, #tpu.memory_space<vmem>>, vector<1x256x128xf32>
    %get3A_71 = vector.shape_cast %get3A_70 : vector<1x256x128xf32> to vector<256x128xf32>
    %get3A_72 = arith.constant 1 : index
    %get3A_73 = arith.constant 0 : index
    %get3A_74 = arith.constant 0 : index
    %get3A_75 = vector.load %arg5[%get3A_72, %get3A_73, %get3A_74] : memref<2x256x128xf32, #tpu.memory_space<vmem>>, vector<1x256x128xf32>
    %get3A_76 = vector.shape_cast %get3A_75 : vector<1x256x128xf32> to vector<256x128xf32>
    %add3A_77 = arith.addf %get3A_71, %get3A_76 : vector<256x128xf32>
    %jit3A_78 = arith.constant 0.000000e+00 : f32
    %broadcast_in_dim3A_79 = vector.shape_cast %lt3A_3 : vector<256x1xi1> to vector<256x1xi1>
    %broadcast_in_dim3A_80 = vector.broadcast %broadcast_in_dim3A_79 : vector<256x1xi1> to vector<256x128xi1>
    %broadcast_in_dim3A_81 = vector.broadcast %jit3A_78 : f32 to vector<256x128xf32>
    %select_n3A_82 = arith.select %broadcast_in_dim3A_80, %add3A_77, %broadcast_in_dim3A_81 : vector<256x128xi1>, vector<256x128xf32>
    %slice3A = vector.extract_strided_slice %select_n3A_82 {offsets = [0, 0], sizes = [256, 16], strides = [1, 1]} : vector<256x128xf32> to vector<256x16xf32>
    %slice3A_83 = vector.extract_strided_slice %select_n3A_82 {offsets = [0, 16], sizes = [256, 1], strides = [1, 1]} : vector<256x128xf32> to vector<256x1xf32>
    %mul3A_84 = vector.broadcast %div3A_21 : vector<1x256xf32> to vector<256x256xf32>
    %mul3A_85 = arith.mulf %select_n3A_66, %mul3A_84 : vector<256x256xf32>
    %mul3A_86 = vector.broadcast %slice3A_83 : vector<256x1xf32> to vector<256x256xf32>
    %mul3A_87 = vector.broadcast %sub3A_26 : vector<1x256xf32> to vector<256x256xf32>
    %mul3A_88 = arith.mulf %mul3A_86, %mul3A_87 : vector<256x256xf32>
    %add3A_89 = arith.addf %mul3A_85, %mul3A_88 : vector<256x256xf32>
    %get3A_90 = arith.constant 0 : index
    %get3A_91 = arith.constant 0 : index
    %get3A_92 = vector.load %arg9[%get3A_90, %get3A_91] : memref<256x8xf32, #tpu.memory_space<vmem>>, vector<256x8xf32>
    %dot_general3A = arith.constant dense<0.000000e+00> : vector<256x8xf32>
    %dot_general3A_93 = tpu.matmul %add3A_38, %get3A_92, %dot_general3A {dimension_numbers = #tpu.dot_dimension_numbers<[1], [0], [0], [1], [0, 0, 1, 1], [], []>, transpose_lhs_hint = false} : vector<256x256xf32>, vector<256x8xf32>, vector<256x8xf32> -> vector<256x8xf32>
    %iota3A_94 = tpu.iota {dimensions = array<i32: 1>} : vector<256x8xi32>
    %reduce_max3A = arith.constant dense<0xFF800000> : vector<256xf32>
    %reduce_max3A_95 = vector.multi_reduction <maximumf>, %dot_general3A_93, %reduce_max3A [1] : vector<256x8xf32> to vector<256xf32>
    %broadcast_in_dim3A_96 = vector.shape_cast %reduce_max3A_95 : vector<256xf32> to vector<256x1xf32>
    %eq3A = vector.broadcast %broadcast_in_dim3A_96 : vector<256x1xf32> to vector<256x8xf32>
    %eq3A_97 = arith.cmpf oeq, %dot_general3A_93, %eq3A : vector<256x8xf32>
    %jit3A_98 = arith.constant 8 : i32
    %broadcast_in_dim3A_99 = vector.broadcast %jit3A_98 : i32 to vector<256x8xi32>
    %select_n3A_100 = arith.select %eq3A_97, %iota3A_94, %broadcast_in_dim3A_99 : vector<256x8xi1>, vector<256x8xi32>
    %reduce_min3A = arith.constant dense<2147483647> : vector<256xi32>
    %reduce_min3A_101 = vector.multi_reduction <minsi>, %select_n3A_100, %reduce_min3A [1] : vector<256x8xi32> to vector<256xi32>
    %broadcast_in_dim3A_102 = vector.shape_cast %reduce_min3A_101 : vector<256xi32> to vector<256x1xi32>
    %eq3A_103 = vector.broadcast %broadcast_in_dim3A_102 : vector<256x1xi32> to vector<256x8xi32>
    %eq3A_104 = arith.cmpi eq, %iota3A_94, %eq3A_103 : vector<256x8xi32>
    %jit3A_105 = arith.constant 0xFF800000 : f32
    %broadcast_in_dim3A_106 = vector.broadcast %jit3A_105 : f32 to vector<256x8xf32>
    %select_n3A_107 = arith.select %eq3A_104, %broadcast_in_dim3A_106, %dot_general3A_93 : vector<256x8xi1>, vector<256x8xf32>
    %reduce_max3A_108 = arith.constant dense<0xFF800000> : vector<256xf32>
    %reduce_max3A_109 = vector.multi_reduction <maximumf>, %select_n3A_107, %reduce_max3A_108 [1] : vector<256x8xf32> to vector<256xf32>
    %broadcast_in_dim3A_110 = vector.shape_cast %reduce_max3A_109 : vector<256xf32> to vector<256x1xf32>
    %eq3A_111 = vector.broadcast %broadcast_in_dim3A_110 : vector<256x1xf32> to vector<256x8xf32>
    %eq3A_112 = arith.cmpf oeq, %select_n3A_107, %eq3A_111 : vector<256x8xf32>
    %jit3A_113 = arith.constant 8 : i32
    %broadcast_in_dim3A_114 = vector.broadcast %jit3A_113 : i32 to vector<256x8xi32>
    %select_n3A_115 = arith.select %eq3A_112, %iota3A_94, %broadcast_in_dim3A_114 : vector<256x8xi1>, vector<256x8xi32>
    %reduce_min3A_116 = arith.constant dense<2147483647> : vector<256xi32>
    %reduce_min3A_117 = vector.multi_reduction <minsi>, %select_n3A_115, %reduce_min3A_116 [1] : vector<256x8xi32> to vector<256xi32>
    %broadcast_in_dim3A_118 = vector.shape_cast %reduce_min3A_117 : vector<256xi32> to vector<256x1xi32>
    %sub3A_119 = arith.subf %broadcast_in_dim3A_110, %broadcast_in_dim3A_96 : vector<256x1xf32>
    %exp3A = math.exp %sub3A_119 : vector<256x1xf32>
    %add3A_120 = arith.constant 1.000000e+00 : f32
    %add3A_121 = vector.broadcast %add3A_120 : f32 to vector<256x1xf32>
    %add3A_122 = arith.addf %add3A_121, %exp3A : vector<256x1xf32>
    %div3A_123 = arith.constant 1.000000e+00 : f32
    %div3A_124 = vector.broadcast %div3A_123 : f32 to vector<256x1xf32>
    %div3A_125 = arith.divf %div3A_124, %add3A_122 : vector<256x1xf32>
    %sub3A_126 = arith.constant 1.000000e+00 : f32
    %sub3A_127 = vector.broadcast %sub3A_126 : f32 to vector<256x1xf32>
    %sub3A_128 = arith.subf %sub3A_127, %div3A_125 : vector<256x1xf32>
    %concatenate3A_129 = tpu.concatenate %broadcast_in_dim3A_102, %broadcast_in_dim3A_118 in 1 : vector<256x1xi32>, vector<256x1xi32> -> vector<256x2xi32>
    %swap3A = arith.constant 0 : index
    %swap3A_130 = arith.constant 0 : index
    %swap3A_131 = vector.load %arg13[%swap3A, %swap3A_130] : memref<256x2xi32, #tpu.memory_space<vmem>>, vector<256x2xi32>
    tpu.vector_store %arg13[%swap3A, %swap3A_130], %concatenate3A_129 {strides = array<i32>} : memref<256x2xi32, #tpu.memory_space<vmem>>, vector<256x2xi32>,
    %eq3A_132 = vector.broadcast %broadcast_in_dim3A_102 : vector<256x1xi32> to vector<256x8xi32>
    %eq3A_133 = arith.cmpi eq, %iota3A_94, %eq3A_132 : vector<256x8xi32>
    %jit3A_134 = arith.constant 0.000000e+00 : f32
    %broadcast_in_dim3A_135 = vector.shape_cast %div3A_125 : vector<256x1xf32> to vector<256x1xf32>
    %broadcast_in_dim3A_136 = vector.broadcast %broadcast_in_dim3A_135 : vector<256x1xf32> to vector<256x8xf32>
    %broadcast_in_dim3A_137 = vector.broadcast %jit3A_134 : f32 to vector<256x8xf32>
    %select_n3A_138 = arith.select %eq3A_133, %broadcast_in_dim3A_136, %broadcast_in_dim3A_137 : vector<256x8xi1>, vector<256x8xf32>
    %eq3A_139 = vector.broadcast %broadcast_in_dim3A_118 : vector<256x1xi32> to vector<256x8xi32>
    %eq3A_140 = arith.cmpi eq, %iota3A_94, %eq3A_139 : vector<256x8xi32>
    %jit3A_141 = arith.constant 0.000000e+00 : f32
    %broadcast_in_dim3A_142 = vector.shape_cast %sub3A_128 : vector<256x1xf32> to vector<256x1xf32>
    %broadcast_in_dim3A_143 = vector.broadcast %broadcast_in_dim3A_142 : vector<256x1xf32> to vector<256x8xf32>
    %broadcast_in_dim3A_144 = vector.broadcast %jit3A_141 : f32 to vector<256x8xf32>
    %select_n3A_145 = arith.select %eq3A_140, %broadcast_in_dim3A_143, %broadcast_in_dim3A_144 : vector<256x8xi1>, vector<256x8xf32>
    %add3A_146 = arith.addf %select_n3A_138, %select_n3A_145 : vector<256x8xf32>
    %jit3A_147 = arith.constant 0.000000e+00 : f32
    %broadcast_in_dim3A_148 = vector.shape_cast %lt3A_3 : vector<256x1xi1> to vector<256x1xi1>
    %broadcast_in_dim3A_149 = vector.broadcast %broadcast_in_dim3A_148 : vector<256x1xi1> to vector<256x8xi1>
    %broadcast_in_dim3A_150 = vector.broadcast %jit3A_147 : f32 to vector<256x8xf32>
    %select_n3A_151 = arith.select %broadcast_in_dim3A_149, %add3A_146, %broadcast_in_dim3A_150 : vector<256x8xi1>, vector<256x8xf32>
    %eq3A_152 = arith.constant 0 : i32
    %eq3A_153 = arith.cmpi eq, %arg0, %eq3A_152 : i32
    %convert_element_type3A = arith.extui %eq3A_153 : i1 to i32
    %cond3A = arith.constant 0 : i32
    %cond3A_154 = arith.cmpi ne, %convert_element_type3A, %cond3A : i32
    scf.if %cond3A_154 {
      %broadcast_in_dim3A_246 = arith.constant 0.000000e+00 : f32
      %broadcast_in_dim3A_247 = vector.broadcast %broadcast_in_dim3A_246 : f32 to vector<1x8xf32>
      %swap3A_248 = arith.constant 0 : index
      %swap3A_249 = arith.constant 0 : index
      %swap3A_250 = vector.load %arg14[%swap3A_248, %swap3A_249] : memref<1x8xf32, #tpu.memory_space<vmem>>, vector<1x8xf32>
      tpu.vector_store %arg14[%swap3A_248, %swap3A_249], %broadcast_in_dim3A_247 {strides = array<i32>} : memref<1x8xf32, #tpu.memory_space<vmem>>, vector<1x8xf32>,
      %broadcast_in_dim3A_251 = arith.constant 0.000000e+00 : f32
      %broadcast_in_dim3A_252 = vector.broadcast %broadcast_in_dim3A_251 : f32 to vector<2x128xf32>
      %swap3A_253 = arith.constant 0 : index
      %swap3A_254 = arith.constant 0 : index
      %swap3A_255 = vector.load %arg16[%swap3A_253, %swap3A_254] : memref<2x128xf32, #tpu.memory_space<vmem>>, vector<2x128xf32>
      tpu.vector_store %arg16[%swap3A_253, %swap3A_254], %broadcast_in_dim3A_252 {strides = array<i32>} : memref<2x128xf32, #tpu.memory_space<vmem>>, vector<2x128xf32>,
    } else {
    }
    %get3A_155 = arith.constant 0 : index
    %get3A_156 = arith.constant 0 : index
    %get3A_157 = vector.load %arg14[%get3A_155, %get3A_156] : memref<1x8xf32, #tpu.memory_space<vmem>>, vector<1x8xf32>
    %reduce_sum3A = arith.constant dense<0.000000e+00> : vector<8xf32>
    %reduce_sum3A_158 = vector.multi_reduction <add>, %select_n3A_151, %reduce_sum3A [0] : vector<256x8xf32> to vector<8xf32>
    %broadcast_in_dim3A_159 = vector.shape_cast %reduce_sum3A_158 : vector<8xf32> to vector<1x8xf32>
    %add3A_160 = arith.addf %get3A_157, %broadcast_in_dim3A_159 : vector<1x8xf32>
    %swap3A_161 = arith.constant 0 : index
    %swap3A_162 = arith.constant 0 : index
    %swap3A_163 = vector.load %arg14[%swap3A_161, %swap3A_162] : memref<1x8xf32, #tpu.memory_space<vmem>>, vector<1x8xf32>
    tpu.vector_store %arg14[%swap3A_161, %swap3A_162], %add3A_160 {strides = array<i32>} : memref<1x8xf32, #tpu.memory_space<vmem>>, vector<1x8xf32>,
    %concatenate3A_164 = tpu.concatenate %add3A_38, %add3A_89, %slice3A in 1 : vector<256x256xf32>, vector<256x256xf32>, vector<256x16xf32> -> vector<256x528xf32>
    %get3A_165 = arith.constant 0 : index
    %get3A_166 = arith.constant 0 : index
    %get3A_167 = vector.load %arg10[%get3A_165, %get3A_166] : memref<528x1024xf32, #tpu.memory_space<vmem>>, vector<528x1024xf32>
    %dot_general3A_168 = arith.constant dense<0.000000e+00> : vector<256x1024xf32>
    %dot_general3A_169 = tpu.matmul %concatenate3A_164, %get3A_167, %dot_general3A_168 {dimension_numbers = #tpu.dot_dimension_numbers<[1], [0], [0], [1], [0, 0, 1, 1], [], []>, transpose_lhs_hint = false} : vector<256x528xf32>, vector<528x1024xf32>, vector<256x1024xf32> -> vector<256x1024xf32>
    %get3A_170 = arith.constant 0 : index
    %get3A_171 = arith.constant 0 : index
    %get3A_172 = vector.load %arg11[%get3A_170, %get3A_171] : memref<1x1024xf32, #tpu.memory_space<vmem>>, vector<1x1024xf32>
    %add3A_173 = vector.broadcast %get3A_172 : vector<1x1024xf32> to vector<256x1024xf32>
    %add3A_174 = arith.addf %dot_general3A_169, %add3A_173 : vector<256x1024xf32>
    %max3A = arith.constant 0.000000e+00 : f32
    %max3A_175 = vector.broadcast %max3A : f32 to vector<256x1024xf32>
    %max3A_176 = arith.maximumf %add3A_174, %max3A_175 : vector<256x1024xf32>
    %convert_element_type3A_177 = arith.truncf %max3A_176 : vector<256x1024xf32> to vector<256x1024xbf16>
    %convert_element_type3A_178 = arith.extf %convert_element_type3A_177 : vector<256x1024xbf16> to vector<256x1024xf32>
    %convert_element_type3A_179 = arith.truncf %select_n3A_151 : vector<256x8xf32> to vector<256x8xbf16>
    %convert_element_type3A_180 = arith.extf %convert_element_type3A_179 : vector<256x8xbf16> to vector<256x8xf32>
    %broadcast_in_dim3A_181 = arith.constant 0.000000e+00 : f32
    %broadcast_in_dim3A_182 = vector.broadcast %broadcast_in_dim3A_181 : f32 to vector<256x128xf32>
    %slice3A_183 = vector.extract_strided_slice %convert_element_type3A_180 {offsets = [0, 0], sizes = [256, 1], strides = [1, 1]} : vector<256x8xf32> to vector<256x1xf32>
    %slice3A_184 = vector.extract_strided_slice %convert_element_type3A_178 {offsets = [0, 0], sizes = [256, 128], strides = [1, 1]} : vector<256x1024xf32> to vector<256x128xf32>
    %mul3A_185 = vector.broadcast %slice3A_183 : vector<256x1xf32> to vector<256x128xf32>
    %mul3A_186 = arith.mulf %mul3A_185, %slice3A_184 : vector<256x128xf32>
    %add3A_187 = arith.addf %broadcast_in_dim3A_182, %mul3A_186 : vector<256x128xf32>
    %slice3A_188 = vector.extract_strided_slice %convert_element_type3A_180 {offsets = [0, 1], sizes = [256, 1], strides = [1, 1]} : vector<256x8xf32> to vector<256x1xf32>
    %slice3A_189 = vector.extract_strided_slice %convert_element_type3A_178 {offsets = [0, 128], sizes = [256, 128], strides = [1, 1]} : vector<256x1024xf32> to vector<256x128xf32>
    %mul3A_190 = vector.broadcast %slice3A_188 : vector<256x1xf32> to vector<256x128xf32>
    %mul3A_191 = arith.mulf %mul3A_190, %slice3A_189 : vector<256x128xf32>
    %add3A_192 = arith.addf %add3A_187, %mul3A_191 : vector<256x128xf32>
    %slice3A_193 = vector.extract_strided_slice %convert_element_type3A_180 {offsets = [0, 2], sizes = [256, 1], strides = [1, 1]} : vector<256x8xf32> to vector<256x1xf32>
    %slice3A_194 = vector.extract_strided_slice %convert_element_type3A_178 {offsets = [0, 256], sizes = [256, 128], strides = [1, 1]} : vector<256x1024xf32> to vector<256x128xf32>
    %mul3A_195 = vector.broadcast %slice3A_193 : vector<256x1xf32> to vector<256x128xf32>
    %mul3A_196 = arith.mulf %mul3A_195, %slice3A_194 : vector<256x128xf32>
    %add3A_197 = arith.addf %add3A_192, %mul3A_196 : vector<256x128xf32>
    %slice3A_198 = vector.extract_strided_slice %convert_element_type3A_180 {offsets = [0, 3], sizes = [256, 1], strides = [1, 1]} : vector<256x8xf32> to vector<256x1xf32>
    %slice3A_199 = vector.extract_strided_slice %convert_element_type3A_178 {offsets = [0, 384], sizes = [256, 128], strides = [1, 1]} : vector<256x1024xf32> to vector<256x128xf32>
    %mul3A_200 = vector.broadcast %slice3A_198 : vector<256x1xf32> to vector<256x128xf32>
    %mul3A_201 = arith.mulf %mul3A_200, %slice3A_199 : vector<256x128xf32>
    %add3A_202 = arith.addf %add3A_197, %mul3A_201 : vector<256x128xf32>
    %slice3A_203 = vector.extract_strided_slice %convert_element_type3A_180 {offsets = [0, 4], sizes = [256, 1], strides = [1, 1]} : vector<256x8xf32> to vector<256x1xf32>
    %slice3A_204 = vector.extract_strided_slice %convert_element_type3A_178 {offsets = [0, 512], sizes = [256, 128], strides = [1, 1]} : vector<256x1024xf32> to vector<256x128xf32>
    %mul3A_205 = vector.broadcast %slice3A_203 : vector<256x1xf32> to vector<256x128xf32>
    %mul3A_206 = arith.mulf %mul3A_205, %slice3A_204 : vector<256x128xf32>
    %add3A_207 = arith.addf %add3A_202, %mul3A_206 : vector<256x128xf32>
    %slice3A_208 = vector.extract_strided_slice %convert_element_type3A_180 {offsets = [0, 5], sizes = [256, 1], strides = [1, 1]} : vector<256x8xf32> to vector<256x1xf32>
    %slice3A_209 = vector.extract_strided_slice %convert_element_type3A_178 {offsets = [0, 640], sizes = [256, 128], strides = [1, 1]} : vector<256x1024xf32> to vector<256x128xf32>
    %mul3A_210 = vector.broadcast %slice3A_208 : vector<256x1xf32> to vector<256x128xf32>
    %mul3A_211 = arith.mulf %mul3A_210, %slice3A_209 : vector<256x128xf32>
    %add3A_212 = arith.addf %add3A_207, %mul3A_211 : vector<256x128xf32>
    %slice3A_213 = vector.extract_strided_slice %convert_element_type3A_180 {offsets = [0, 6], sizes = [256, 1], strides = [1, 1]} : vector<256x8xf32> to vector<256x1xf32>
    %slice3A_214 = vector.extract_strided_slice %convert_element_type3A_178 {offsets = [0, 768], sizes = [256, 128], strides = [1, 1]} : vector<256x1024xf32> to vector<256x128xf32>
    %mul3A_215 = vector.broadcast %slice3A_213 : vector<256x1xf32> to vector<256x128xf32>
    %mul3A_216 = arith.mulf %mul3A_215, %slice3A_214 : vector<256x128xf32>
    %add3A_217 = arith.addf %add3A_212, %mul3A_216 : vector<256x128xf32>
    %slice3A_218 = vector.extract_strided_slice %convert_element_type3A_180 {offsets = [0, 7], sizes = [256, 1], strides = [1, 1]} : vector<256x8xf32> to vector<256x1xf32>
    %slice3A_219 = vector.extract_strided_slice %convert_element_type3A_178 {offsets = [0, 896], sizes = [256, 128], strides = [1, 1]} : vector<256x1024xf32> to vector<256x128xf32>
    %mul3A_220 = vector.broadcast %slice3A_218 : vector<256x1xf32> to vector<256x128xf32>
    %mul3A_221 = arith.mulf %mul3A_220, %slice3A_219 : vector<256x128xf32>
    %add3A_222 = arith.addf %add3A_217, %mul3A_221 : vector<256x128xf32>
    %swap3A_223 = arith.constant 0 : index
    %swap3A_224 = arith.constant 0 : index
    %swap3A_225 = vector.load %arg12[%swap3A_223, %swap3A_224] : memref<256x128xf32, #tpu.memory_space<vmem>>, vector<256x128xf32>
    tpu.vector_store %arg12[%swap3A_223, %swap3A_224], %add3A_222 {strides = array<i32>} : memref<256x128xf32, #tpu.memory_space<vmem>>, vector<256x128xf32>,
    %get3A_226 = arith.constant 0 : index
    %get3A_227 = arith.constant 0 : index
    %get3A_228 = vector.load %arg16[%get3A_226, %get3A_227] : memref<2x128xf32, #tpu.memory_space<vmem>>, vector<2x128xf32>
    %reduce_sum3A_229 = arith.constant dense<0.000000e+00> : vector<128xf32>
    %reduce_sum3A_230 = vector.multi_reduction <add>, %add3A_222, %reduce_sum3A_229 [0] : vector<256x128xf32> to vector<128xf32>
    %broadcast_in_dim3A_231 = vector.shape_cast %reduce_sum3A_230 : vector<128xf32> to vector<1x128xf32>
    %mul3A_232 = arith.mulf %add3A_222, %add3A_222 : vector<256x128xf32>
    %reduce_sum3A_233 = arith.constant dense<0.000000e+00> : vector<128xf32>
    %reduce_sum3A_234 = vector.multi_reduction <add>, %mul3A_232, %reduce_sum3A_233 [0] : vector<256x128xf32> to vector<128xf32>
    %broadcast_in_dim3A_235 = vector.shape_cast %reduce_sum3A_234 : vector<128xf32> to vector<1x128xf32>
    %concatenate3A_236 = tpu.concatenate %broadcast_in_dim3A_231, %broadcast_in_dim3A_235 in 0 : vector<1x128xf32>, vector<1x128xf32> -> vector<2x128xf32>
    %add3A_237 = arith.addf %get3A_228, %concatenate3A_236 : vector<2x128xf32>
    %swap3A_238 = arith.constant 0 : index
    %swap3A_239 = arith.constant 0 : index
    %swap3A_240 = vector.load %arg16[%swap3A_238, %swap3A_239] : memref<2x128xf32, #tpu.memory_space<vmem>>, vector<2x128xf32>
    tpu.vector_store %arg16[%swap3A_238, %swap3A_239], %add3A_237 {strides = array<i32>} : memref<2x128xf32, #tpu.memory_space<vmem>>, vector<2x128xf32>,
    %eq3A_241 = arith.constant 39 : i32
    %eq3A_242 = arith.cmpi eq, %arg0, %eq3A_241 : i32
    %convert_element_type3A_243 = arith.extui %eq3A_242 : i1 to i32
    %cond3A_244 = arith.constant 0 : i32
    %cond3A_245 = arith.cmpi ne, %convert_element_type3A_243, %cond3A_244 : i32
    scf.if %cond3A_245 {
      %get3A_246 = arith.constant 0 : index
      %get3A_247 = arith.constant 0 : index
      %get3A_248 = vector.load %arg14[%get3A_246, %get3A_247] : memref<1x8xf32, #tpu.memory_space<vmem>>, vector<1x8xf32>
      %reduce_sum3A_249 = vector.shape_cast %get3A_248 : vector<1x8xf32> to vector<1x1x8xf32>
      %reduce_sum3A_250 = arith.constant dense<0.000000e+00> : vector<1xf32>
      %reduce_sum3A_251 = vector.multi_reduction <add>, %reduce_sum3A_249, %reduce_sum3A_250 [1, 2] : vector<1x1x8xf32> to vector<1xf32>
      %reduce_sum3A_252 = vector.shape_cast %reduce_sum3A_251 : vector<1xf32> to vector<1x1x1xf32>
      %reduce_sum3A_253 = vector.extract %reduce_sum3A_252[0, 0, 0] : f32 from vector<1x1x1xf32>
      %div3A_254 = arith.constant 8.000000e+00 : f32
      %div3A_255 = arith.divf %reduce_sum3A_253, %div3A_254 : f32
      %sub3A_256 = vector.broadcast %div3A_255 : f32 to vector<1x8xf32>
      %sub3A_257 = arith.subf %get3A_248, %sub3A_256 : vector<1x8xf32>
      %integer_pow3A = arith.mulf %sub3A_257, %sub3A_257 : vector<1x8xf32>
      %reduce_sum3A_258 = vector.shape_cast %integer_pow3A : vector<1x8xf32> to vector<1x1x8xf32>
      %reduce_sum3A_259 = arith.constant dense<0.000000e+00> : vector<1xf32>
      %reduce_sum3A_260 = vector.multi_reduction <add>, %reduce_sum3A_258, %reduce_sum3A_259 [1, 2] : vector<1x1x8xf32> to vector<1xf32>
      %reduce_sum3A_261 = vector.shape_cast %reduce_sum3A_260 : vector<1xf32> to vector<1x1x1xf32>
      %reduce_sum3A_262 = vector.extract %reduce_sum3A_261[0, 0, 0] : f32 from vector<1x1x1xf32>
      %div3A_263 = arith.constant 8.000000e+00 : f32
      %div3A_264 = arith.divf %reduce_sum3A_262, %div3A_263 : f32
      %mul3A_265 = arith.mulf %div3A_255, %div3A_255 : f32
      %add3A_266 = arith.constant 1.000000e-10 : f32
      %add3A_267 = arith.addf %mul3A_265, %add3A_266 : f32
      %div3A_268 = arith.divf %div3A_264, %add3A_267 : f32
      %reshape3A = vector.broadcast %div3A_268 : f32 to vector<1x1xf32>
      %swap3A_269 = arith.constant 0 : index
      %swap3A_270 = arith.constant 0 : index
      %swap3A_271 = vector.load %arg15[%swap3A_269, %swap3A_270] : memref<1x1xf32, #tpu.memory_space<vmem>>, vector<1x1xf32>
      tpu.vector_store %arg15[%swap3A_269, %swap3A_270], %reshape3A {strides = array<i32>} : memref<1x1xf32, #tpu.memory_space<vmem>>, vector<1x1xf32>,
    } else {
    }
    return
  }
  func.func @transform_0(%arg0: i32) -> (i32, i32) {
    %c0_i32 = arith.constant 0 : i32
    %c0_i32_0 = arith.constant 0 : i32
    return %arg0, %c0_i32 : i32, i32
  }
  func.func @transform_1(%arg0: i32) -> (i32, i32) {
    %c0_i32 = arith.constant 0 : i32
    %c0_i32_0 = arith.constant 0 : i32
    return %arg0, %c0_i32 : i32, i32
  }
  func.func @transform_2(%arg0: i32) -> (i32, i32, i32) {
    %c0_i32 = arith.constant 0 : i32
    %c0_i32_0 = arith.constant 0 : i32
    %c0_i32_1 = arith.constant 0 : i32
    return %c0_i32, %arg0, %c0_i32_0 : i32, i32, i32
  }
  func.func @transform_3(%arg0: i32) -> (i32, i32, i32) {
    %c0_i32 = arith.constant 0 : i32
    %c0_i32_0 = arith.constant 0 : i32
    %c0_i32_1 = arith.constant 0 : i32
    return %c0_i32, %arg0, %c0_i32_0 : i32, i32, i32
  }
  func.func @transform_4(%arg0: i32) -> (i32, i32, i32) {
    %c0_i32 = arith.constant 0 : i32
    %c0_i32_0 = arith.constant 0 : i32
    %c0_i32_1 = arith.constant 0 : i32
    return %c0_i32, %arg0, %c0_i32_0 : i32, i32, i32
  }
  func.func @transform_5(%arg0: i32) -> (i32, i32) {
    %c0_i32 = arith.constant 0 : i32
    %c0_i32_0 = arith.constant 0 : i32
    %c0_i32_1 = arith.constant 0 : i32
    return %c0_i32, %c0_i32_0 : i32, i32
  }
  func.func @transform_6(%arg0: i32) -> (i32, i32) {
    %c0_i32 = arith.constant 0 : i32
    %c0_i32_0 = arith.constant 0 : i32
    %c0_i32_1 = arith.constant 0 : i32
    return %c0_i32, %c0_i32_0 : i32, i32
  }
  func.func @transform_7(%arg0: i32) -> (i32, i32) {
    %c0_i32 = arith.constant 0 : i32
    %c0_i32_0 = arith.constant 0 : i32
    %c0_i32_1 = arith.constant 0 : i32
    return %c0_i32, %c0_i32_0 : i32, i32
  }
  func.func @transform_8(%arg0: i32) -> (i32, i32) {
    %c0_i32 = arith.constant 0 : i32
    %c0_i32_0 = arith.constant 0 : i32
    %c0_i32_1 = arith.constant 0 : i32
    return %c0_i32, %c0_i32_0 : i32, i32
  }
  func.func @transform_9(%arg0: i32) -> (i32, i32) {
    %c0_i32 = arith.constant 0 : i32
    %c0_i32_0 = arith.constant 0 : i32
    %c0_i32_1 = arith.constant 0 : i32
    return %c0_i32, %c0_i32_0 : i32, i32
  }
  func.func @transform_10(%arg0: i32) -> (i32, i32) {
    %c0_i32 = arith.constant 0 : i32
    %c0_i32_0 = arith.constant 0 : i32
    %c0_i32_1 = arith.constant 0 : i32
    return %c0_i32, %c0_i32_0 : i32, i32
  }
  func.func @transform_11(%arg0: i32) -> (i32, i32) {
    %c0_i32 = arith.constant 0 : i32
    %c0_i32_0 = arith.constant 0 : i32
    return %arg0, %c0_i32 : i32, i32
  }
  func.func @transform_12(%arg0: i32) -> (i32, i32) {
    %c0_i32 = arith.constant 0 : i32
    %c0_i32_0 = arith.constant 0 : i32
    return %arg0, %c0_i32 : i32, i32
  }
  func.func @transform_13(%arg0: i32) -> (i32, i32) {
    %c0_i32 = arith.constant 0 : i32
    %c0_i32_0 = arith.constant 0 : i32
    %c0_i32_1 = arith.constant 0 : i32
    return %c0_i32, %c0_i32_0 : i32, i32
  }
  func.func @transform_14(%arg0: i32) -> (i32, i32) {
    %c0_i32 = arith.constant 0 : i32
    %c0_i32_0 = arith.constant 0 : i32
    %c0_i32_1 = arith.constant 0 : i32
    return %c0_i32, %c0_i32_0 : i32, i32
  }
  func.func @transform_15(%arg0: i32) -> (i32, i32) {
    %c0_i32 = arith.constant 0 : i32
    %c0_i32_0 = arith.constant 0 : i32
    %c0_i32_1 = arith.constant 0 : i32
    return %c0_i32, %c0_i32_0 : i32, i32
  }
}

</mosaic_0001>

<sc_bundles>
// kernel: kernel.12.cloned.1.call-start
scs
__scs_entry_jumppad:
0x0: {  	(pc) =	sbr.rel $0x88, $3  }
0x1: {  	(tag) =	ssettag $0x0;
	lr =	simm.s32 $0x1  }
0x2: {  	[smem:$0x3F90] =	sst lr;
	_ =	strace $0xD0000000  }
0x3: {  	_ = 	snop  }
0x4: {  	_ = 	snop  }
0x5: {  	_ = 	snop  }
0x6: {  	_ = 	snop  }
0x7: {  	_ = 	snop  }
__scs_overlays_trampoline_lowered:
0x8: {  	[smem:$0x3F9F] =	sst s0  }
0x9: {  	[smem:$0x3FA0] =	sst s1  }
0xa: {  	[smem:$0x3FA1] =	sst s2  }
0xb: {  	[smem:$0x3FA2] =	sst s3  }
0xc: {  	[smem:$0x3FA3] =	sst s4  }
0xd: {  	[smem:$0x3FA4] =	sst s5  }
0xe: {  	[smem:$0x3FA5] =	sst s6  }
0xf: {  	[smem:$0x3FA6] =	sst s7  }
0x10: {  	[smem:$0x3FA7] =	sst s8  }
0x11: {  	[smem:$0x3FA8] =	sst s9;
	s0 =	simm.s32 @!p0 $0x0  }
0x12: {  	s1 =	sld [smem:$0x3F8E];
	s0 =	simm.s32 @p0 $0x1  }
0x13: {  	[smem:$0x3FA9] =	sst s0;
	s0 =	simm.s32 @!p1 $0x0  }
0x14: {  	s2 =	sld [smem:$0x3F8D];
	s0 =	simm.s32 @p1 $0x1  }
0x15: {  	[smem:$0x3FAA] =	sst s0;
	s0 =	simm.s32 @!p2 $0x0  }
0x16: {  	s3 =	sld [smem:$0x3FDB];
	s0 =	simm.s32 @p2 $0x1  }
0x17: {  	s4 =	simm.s32 $0x1BF5;
	[smem:$0x3FAC] =	sst s0  }
0x18: {  	s0 =	sld [smem:$0x3F8F];
	_ =	swait.ge [sflag:s4], $0x0  }
0x19: {  	s7 =	sld [smem:$0x3F90]  }
0x1a: {  	s8 =	sadd.s32 $0xFFFFE003, lr  }
0x1b: {  	s9 =	sadd.s32 $0xFFFFFEF7, lr;
	s5 =	simm.s32 $0xFFFFFFFF;
	p2 =	slt.u32 s8, $0xFFFFF086  }
0x1c: {  	p1 =	slt.u32 s9, $0xF7A;
	s5 =	simm.s32 @!p2 $0x0  }
0x1d: {  	s5 =	simm.s32 @p1 $0x1;
	p0 =	seq.s32 s7, s2  }
0x1e: {  	s7 =	smul.u32 @!p0 $0xF7A, s2;
	p2 =	seq.s32 @!p0 s5, $0x0  }
0x1f: {  	s9 =	smul.u32 $0xF7A, s1;
	s8 =	simm.s32 @!p0 $0x1BF5;
	p2 =	por !p2, p0  }
0x20: {  	[sflag:s8] =	ssyncset.s32 @!p0 $0xFFFFF086;
	s6 =	sadd.s32 @!p0 s3, s7;
	s7 =	simm.s32 @!p0 $0x108  }
0x21: {  	s3 =	sadd.s32 s3, s9;
	s6 =	sadd.s32 @!p0 $0x88, s6;
	s7 =	simm.s32 @p2 $0x1082  }
0x22: {  	[simem:s7], [sflag:s8] =	dma.local @!p0 [hbm:s6], $0xF7A  }
0x23: {  	s9 =	sor.u32 $0xD0000000, s2;
	s6 =	simm.s32 $0x108;
	_ =	swait.ge @!p0 [sflag:s8], $0x0  }
0x24: {  	s3 =	sadd.s32 $0x88, s3;
	s6 =	simm.s32 @!p1 $0x1082;
	[sflag:s4] =	ssyncset.s32 $0xFFFFF086  }
0x25: {  	[simem:s6], [sflag:s4] =	dma.local [hbm:s3], $0xF7A  }
0x26: {  	[smem:$0x3F90] =	sst s1;
	(tag) =	ssettag s2;
	_ =	strace s9  }
0x27: {  	s1 =	sld [smem:$0x3FA0]  }
0x28: {  	s2 =	sld [smem:$0x3FA1]  }
0x29: {  	s4 =	sld [smem:$0x3FA3]  }
0x2a: {  	p0 =	seq.s32 s5, $0x0;
	s5 =	sld [smem:$0x3FA4]  }
0x2b: {  	s6 =	sld [smem:$0x3FA5]  }
0x2c: {  	s7 =	sld [smem:$0x3FA6]  }
0x2d: {  	s3 =	simm.s32 $0x108;
	s8 =	sld [smem:$0x3FA7]  }
0x2e: {  	s3 =	simm.s32 @!p0 $0x1082;
	s9 =	sld [smem:$0x3FA8]  }
0x2f: {  	lr =	sadd.s32 s0, s3;
	s0 =	sld [smem:$0x3F9F]  }
0x30: {  	s3 =	sld [smem:$0x3FA2]  }
0x31: {  	[smem:$0x3FAB] =	sst s10  }
0x32: {  	s10 =	sld [smem:$0x3FA9];
	_ =	sdelay $0x3  }
0x33: {  	p0 =	seq.s32 s10, $0x1;
	s10 =	sld [smem:$0x3FAB];
	_ =	sdelay $0x3  }
0x34: {  	[smem:$0x3FAB] =	sst s10  }
0x35: {  	s10 =	sld [smem:$0x3FAA];
	_ =	sdelay $0x3  }
0x36: {  	p1 =	seq.s32 s10, $0x1;
	s10 =	sld [smem:$0x3FAB];
	_ =	sdelay $0x3  }
0x37: {  	[smem:$0x3FAB] =	sst s10  }
0x38: {  	s10 =	sld [smem:$0x3FAC]  }
0x39: {  	_ = 	snop;
	(pc) =	sbr.ind lr, $3  }
0x3a: {  	_ = 	snop  }
0x3b: {  	_ = 	snop  }
0x3c: {  	p2 =	seq.s32 s10, $0x1;
	s10 =	sld [smem:$0x3FAB]  }
0x3d: {  	_ =	shalt  }
0x3e: {  	_ =	shalt  }
0x3f: {  	_ =	shalt  }
0x40: {  	_ =	shalt  }
0x41: {  	_ =	shalt  }
0x42: {  	_ =	shalt  }
0x43: {  	_ =	shalt  }
0x44: {  	_ =	shalt  }
0x45: {  	_ =	shalt  }
0x46: {  	_ =	shalt  }
0x47: {  	_ =	shalt  }
0x48: {  	_ =	shalt  }
0x49: {  	_ =	shalt  }
0x4a: {  	_ =	shalt  }
0x4b: {  	_ =	shalt  }
0x4c: {  	_ =	shalt  }
0x4d: {  	_ =	shalt  }
0x4e: {  	_ =	shalt  }
0x4f: {  	_ =	shalt  }
0x50: {  	_ =	shalt  }
0x51: {  	_ =	shalt  }
0x52: {  	_ =	shalt  }
0x53: {  	_ =	shalt  }
0x54: {  	_ =	shalt  }
0x55: {  	_ =	shalt  }
0x56: {  	_ =	shalt  }
0x57: {  	_ =	shalt  }
0x58: {  	_ =	shalt  }
0x59: {  	_ =	shalt  }
0x5a: {  	_ =	shalt  }
0x5b: {  	_ =	shalt  }
0x5c: {  	_ =	shalt  }
0x5d: {  	_ =	shalt  }
0x5e: {  	_ =	shalt  }
0x5f: {  	_ =	shalt  }
0x60: {  	_ =	shalt  }
0x61: {  	_ =	shalt  }
0x62: {  	_ =	shalt  }
0x63: {  	_ =	shalt  }
0x64: {  	_ =	shalt  }
0x65: {  	_ =	shalt  }
0x66: {  	_ =	shalt  }
0x67: {  	_ =	shalt  }
0x68: {  	_ =	shalt  }
0x69: {  	_ =	shalt  }
0x6a: {  	_ =	shalt  }
0x6b: {  	_ =	shalt  }
0x6c: {  	_ =	shalt  }
0x6d: {  	_ =	shalt  }
0x6e: {  	_ =	shalt  }
0x6f: {  	_ =	shalt  }
0x70: {  	_ =	shalt  }
0x71: {  	_ =	shalt  }
0x72: {  	_ =	shalt  }
0x73: {  	_ =	shalt  }
0x74: {  	_ =	shalt  }
0x75: {  	_ =	shalt  }
0x76: {  	_ =	shalt  }
0x77: {  	_ =	shalt  }
0x78: {  	_ =	shalt  }
0x79: {  	_ =	shalt  }
0x7a: {  	_ =	shalt  }
0x7b: {  	_ =	shalt  }
0x7c: {  	_ =	shalt  }
0x7d: {  	_ =	shalt  }
0x7e: {  	_ =	shalt  }
0x7f: {  	_ =	shalt  }
0x80: {  	_ =	shalt  }
0x81: {  	_ =	shalt  }
0x82: {  	_ =	shalt  }
0x83: {  	_ =	shalt  }
0x84: {  	_ =	shalt  }
0x85: {  	_ =	shalt  }
0x86: {  	_ =	shalt  }
0x87: {  	_ =	shalt  }
.Lfunc_end0:
.L_simem_size_0:
called_computation.1_lowered:
.L_overlay_start_0:
0x88: {  	s2 =	sld [smem:$0x3FD9]  }
0x89: {  	s3 =	sld [smem:$0x3FFE];
	_ =	sdelay $0x1  }
0x8a: {  	s1 =	srdreg.scid  }
0x8b: {  	s0 =	sand.u32 $0x1, s1  }
0x8c: {  	s17 =	sshll.u32 s0, $0xA;
	s2 =	sadd.s32 s3, s2  }
0x8d: {  	s2 =	sadd.s32 s2, s17  }
0x8e: {  	[smem:$0x3FB7] =	sst s2  }
0x8f: {  	_ = 	snop  }
0x90: {  	s18 =	sld [smem:$0x3FC9];
	(tm) =	ssettm $0x1  }
0x91: {  	s19 =	sld [smem:$0x3FFB];
	_ =	sdelay $0x3  }
0x92: {  	_ =	strace s19  }
0x93: {  	s2 =	sld [smem:$0x3FFC];
	_ =	sdelay $0x3  }
0x94: {  	_ =	strace s2  }
0x95: {  	s2 =	sld [smem:$0x3FFD];
	_ =	sdelay $0x3  }
0x96: {  	_ =	strace s2  }
0x97: {  	_ =	strace $0x8FFFFFFF  }
0x98: {  	s20 =	sld [smem:$0x3FDB];
	_ =	sdelay $0x1  }
0x99: {  	s4 =	simm.s32 $_scs_section_size  }
0x9a: {  	s5 =	simm.s32 $_size__tile_overlayer_lowered;
	s6 =	simm.s32 $_tile_overlayer_lowered  }
0x9b: {  	s7 =	simm.s32 $0x1BFF;
	s21 =	sshll.u32 s6, $0x1;
	s4 =	sadd.s32 s4, s20  }
0x9c: {  	s22 =	simm.s32 $0x0;
	s5 =	sshll.u32 s5, $0x1;
	s6 =	sadd.s32 s21, s4  }
0x9d: {  	[timem:s22], [sflag:s7] =	dma.local [hbm:s6], s5  }
0x9e: {  	_ =	swait.ge [sflag:s7], s5  }
0x9f: {  	s5 =	ssub.s32 $0x0, s5;
	[sflag:s7] =	ssyncset.done $0x0  }
0xa0: {  	[sflag:s7] =	ssyncadd.s32 s5;
	_ =	sdelay $0x1  }
0xa1: {  	s23 =	simm.s32 $0x1B8B  }
0xa2: {  	_ =	swait.ge [sflag:s23], $0x1  }
0xa3: {  	[sflag:s23] =	ssyncset.done $0x0  }
0xa4: {  	[sflag:s23] =	ssyncadd.s32 $0xFFFFFFFF  }
0xa5: {  	s5 =	sld [smem:$0x0]  }
0xa6: {  	s6 =	sand.u32 $0xFFFFFFFE, s1  }
0xa7: {  	p0 =	sne.s32 s1, s6  }
0xa8: {  	s6 =	sshll.u32 @p0 s6, $0xE  }
0xa9: {  	s6 =	sadd.s32 @p0 $0x11B8D, s6;
	s7 =	sshll.u32 @p0 s5, $0x11  }
0xaa: {  	s6 =	sor.u32 @p0 s7, s6  }
0xab: {  	[sflag:s6] =	ssyncadd.remote.s32 @p0 $0x1;
	_ =	sdelay $0x1  }
0xac: {  	s6 =	simm.s32 @p0 $0x1B8D  }
0xad: {  	_ =	swait.eq @p0 [sflag:s6], $0x1  }
0xae: {  	[sflag:s6] =	ssyncadd.s32 @p0 $0xFFFFFFFF  }
0xaf: {  	s7 =	sshll.u32 @!p0 s1, $0xE  }
0xb0: {  	s7 =	sor.u32 @!p0 $0x4000, s7;
	s6 =	simm.s32 @!p0 $0x1B8D  }
0xb1: {  	s5 =	sshll.u32 @!p0 s5, $0x11;
	s7 =	sadd.s32 @!p0 $0x11B8D, s7;
	_ =	swait.eq @!p0 [sflag:s6], $0x1  }
0xb2: {  	s5 =	sor.u32 @!p0 s5, s7;
	[sflag:s6] =	ssyncadd.s32 @!p0 $0xFFFFFFFF  }
0xb3: {  	s25 =	simm.s32 $0x1B8E;
	s24 =	sld [smem:$0x3FFE];
	[sflag:s5] =	ssyncadd.remote.s32 @!p0 $0x1  }
0xb4: {  	s26 =	simm.s32 $execute0_lowered;
	[smem:$0x3FD2] =	sst s25  }
0xb5: {  	s6 =	sshll.u32 s26, $0x1;
	_ =	strace $0x80000049;
	[dreg:$0x1] =	wrdreg $0xFFFFFFFF  }
0xb6: {  	s28 =	simm.s32 $_size_execute0_lowered;
	s4 =	sadd.s32 s4, s6;
	[dreg:$0x0] =	wrdreg $0x0  }
0xb7: {  	s6 =	sshll.u32 s28, $0x1;
	[dreg:$0x2] =	wrdreg s4  }
0xb8: {  	[dreg:$0x3] =	wrdreg s6  }
0xb9: {  	[dreg:$0x4] =	wrdreg $0xC0  }
0xba: {  	_ =	task [dreg:s22], $0x5FFFF  }
0xbb: {  	[dreg:$0x1] =	wrdreg $0xFFFFFFFF  }
0xbc: {  	[dreg:$0x0] =	wrdreg $0x60  }
0xbd: {  	[dreg:$0x2] =	wrdreg s18  }
0xbe: {  	[dreg:$0x3] =	wrdreg s24  }
0xbf: {  	[dreg:$0x4] =	wrdreg $0x41000  }
0xc0: {  	[dreg:$0x5] =	wrdreg $0xA  }
0xc1: {  	_ =	task.clear_ibuf [dreg:s22], $0x6FFFF;
	_ =	strace $0x90000049  }
0xc2: {  	s29 =	simm.s32 $0xA;
	_ =	strace $0x8000004B  }
0xc3: {  	_ =	swait.ge [sflag:s29], $0x1  }
0xc4: {  	[sflag:s29] =	ssyncadd.s32 $0xFFFFFFFF  }
0xc5: {  	_ =	strace $0x9000004B  }
0xc6: {  	_ =	sfence  }
0xc7: {  	s30 =	sld [smem:$0x0];
	_ =	sdelay $0x2  }
0xc8: {  	s31 =	sshll.u32 s1, $0xD;
	s1 =	sshrl.u32 s1, $0x2  }
0xc9: {  	s4 =	sand.u32 $0x4000, s31;
	s1 =	sadd.s32 s1, s30  }
0xca: {  	s0 =	sor.u32 s4, s0;
	s1 =	sshll.u32 s1, $0x11  }
0xcb: {  	s0 =	sor.u32 s1, s0  }
0xcc: {  	s0 =	sadd.s32 $0x8F2B, s0  }
0xcd: {  	[sflag:s0] =	ssyncadd.remote.s32 $0x1  }
0xce: {  	_ =	sfence.sel $0xFFFF  }
0xcf: {  	[dreg:$0x0] =	wrdreg $0xFFFFFFFF;
	(pc) =	sbr.abs _section_cstart, $3  }
0xd0: {  	[dreg:$0x1] =	wrdreg $0xFFFFFFFF  }
0xd1: {  	_ =	task.clear_ibuf [dreg:s22], $0x2FFFF;
	_ =	strace $0x9FFFFFFF  }
0xd2: {  	(tm) =	ssettm $0x7FFFFFFF  }
0xd3: {  	_ =	shalt  }
tec
execute0_lowered:
.L_overlay_start_1:
0x0: {  	(tag) =	ssettag $0x1  }
0x1: {  	s1 =	rddreg [dreg:$0x0]  }
0x2: {  	s6 =	rddreg [dreg:$0x1]  }
0x3: {  	s2 =	rddreg [dreg:$0x2]  }
0x4: {  	s3 =	srdreg.scid;
	s0 =	rddreg [dreg:$0x3]  }
0x5: {  	s4 =	simm.s32 $0x0;
	s7 =	sand.u32 $0x1, s3;
	s3 =	stileid.u32  }
0x6: {  	[smem:$0x7FF] =	sst s4;
	s8 =	smul.u32 $0x13C000, s7;
	s5 =	sshll.u32 s3, $0x5  }
0x7: {  	s9 =	smul.u32 $0x13C00, s3;
	_ =	strace $0x8000004A;
	s28 =	ssub.s32 $0x2, s7  }
0x8: {  	s12 =	smul.u32 $0x4F000, s3;
	s30 =	sshll.u32 s3, $0x6;
	s13 =	sshll.u32 s7, $0x4  }
0x9: {  	s10 =	sadd.s32 s5, s6;
	s5 =	sadd.s32 $0xEE00, s6;
	s11 =	sshrl.u32 s28, $0x1  }
0xa: {  	s7 =	sor.u32 $0x1C02, s30;
	s8 =	sadd.s32 s9, s8;
	s9 =	ssub.s32 s28, s11  }
0xb: {  	s29 =	sshrl.u32 s12, $0x2;
	s31 =	sadd.s32 s13, s10;
	s13 =	simm.s32 $0x2  }
0xc: {  	s8 =	sshrl.u32 s8, $0x3;
	s14 =	sadd.s32 s29, s2;
	s9 =	smax.u32 s9, $0x1  }
0xd: {  	s10 =	sadd.s32 $0x9E00, s31;
	s11 =	sadd.s32 $0x4E00, s31;
	s8 =	sadd.s32 s8, s6  }
0xe: {  	s6 =	sshll.u32 s3, $0x1;
	s12 =	sshrl.u32 s14, $0x3;
	s8 =	sadd.s32 $0x60600, s8  }
.LBB2_1:
0xf: {  	[spmem:s12], [sflag:s7] =	dma.local [hbm:s5], $0x2780  }
0x10: {  	_ =	swait.ge [sflag:s13], $0x2780  }
0x11: {  	p0 =	sgt.u32 s6, $0x4E1;
	[sflag:s13] =	ssyncset.done $0x0  }
0x12: {  	s14 =	sadd.s32 @!p0 $0x0, s11;
	s15 =	simm.s32 @!p0 $0x0;
	[sflag:s13] =	ssyncadd.s32 $0xFFFFD880  }
0x13: {  	s16 =	simm.s32 @!p0 $0x80;
	s17 =	simm.s32 @!p0 $0x3;
	[bflag:$0x0] =	sbarrier.arrive $0xFFFF  }
0x14: {  	[tilespmem:s16], [sflag:$0x3] =	stream.linear.gather @!p0 [hbm4b:s14+s15], $0x80, $0x38;
	[tilespmem:$0x17D00] =	vst v63  }
0x15: {  	_ =	swait.ge @!p0 [sflag:s17], $0x80  }
0x16: {  	[sflag:s17] =	ssyncset.done @!p0 $0x0  }
0x17: {  	s14 =	sadd.s32 @!p0 $0x0, s10;
	[sflag:s17] =	ssyncadd.s32 @!p0 $0xFFFFFF80;
	p0 =	por p0, p0  }
0x18: {  	[tilespmem:s15], [sflag:$0x3] =	stream.linear.gather @!p0 [hbm4b:s14+s15], $0x80, $0x38;
	[tilespmem:$0x17D00] =	vst v63  }
0x19: {  	_ =	swait.ge @!p0 [sflag:s17], $0x80  }
0x1a: {  	[sflag:s17] =	ssyncset.done @!p0 $0x0  }
0x1b: {  	s14 =	simm.s32 @!p0 $0x100;
	[sflag:s17] =	ssyncadd.s32 @!p0 $0xFFFFFF80;
	s17 =	simm.s32 @!p0 $0x1  }
0x1c: {  	[tilespmem:s14], [sflag:$0x1] =	stream.indirect.gather @!p0 [hbm4b:s1+s16], $0x80, s15, s16, $0xb8;
	[tilespmem:$0x17D00] =	vst v63  }
0x1d: {  	_ =	swait.ge @!p0 [sflag:s17], $0x4000  }
0x1e: {  	s15 =	sadd.s32 $0x20, s6;
	[sflag:s17] =	ssyncset.done @!p0 $0x0  }
0x1f: {  	p1 =	sgt.u32 s15, $0x4E1;
	[sflag:s17] =	ssyncadd.s32 @!p0 $0xFFFFC000;
	s17 =	simm.s32 @!p0 $0x2  }
0x20: {  	[spmem:s2] =	stream.indirect.scatter.add.f32 @!p0 [tilespmem:s14], [sflag:$0x2], $0x80, s16, s16, $0xb8;
	[tilespmem:$0x17D00] =	vst v63  }
0x21: {  	s14 =	simm.s32 $0x200;
	s16 =	simm.s32 $0x400;
	_ =	swait.ge @!p0 [sflag:s17], $0x4000  }
.LBB2_2:
0x22: {  	s18 =	sadd.s32 @!p1 s14, s11;
	s19 =	simm.s32 @!p1 $0x0;
	[sflag:s17] =	ssyncset.done @!p0 $0x0  }
0x23: {  	s20 =	simm.s32 @!p1 $0x80;
	s21 =	simm.s32 @!p1 $0x3;
	[sflag:s17] =	ssyncadd.s32 @!p0 $0xFFFFC000  }
0x24: {  	[tilespmem:s20], [sflag:$0x3] =	stream.linear.gather @!p1 [hbm4b:s18+s19], $0x80, $0x38;
	[tilespmem:$0x17D00] =	vst v63  }
0x25: {  	s17 =	smov.u32 s16;
	s16 =	sadd.s32 $0x200, s16;
	_ =	swait.ge @!p1 [sflag:s21], $0x80  }
0x26: {  	p2 =	sne.s32 s16, $0x5000;
	s18 =	sadd.s32 @!p1 s14, s10;
	[sflag:s21] =	ssyncset.done @!p1 $0x0  }
0x27: {  	p0 =	por p1, p1;
	s14 =	smov.u32 s17;
	[sflag:s21] =	ssyncadd.s32 @!p1 $0xFFFFFF80  }
0x28: {  	[tilespmem:s19], [sflag:$0x3] =	stream.linear.gather @!p0 [hbm4b:s18+s19], $0x80, $0x38;
	[tilespmem:$0x17D00] =	vst v63  }
0x29: {  	_ =	swait.ge @!p0 [sflag:s21], $0x80  }
0x2a: {  	s18 =	simm.s32 @!p0 $0x100;
	[sflag:s21] =	ssyncset.done @!p0 $0x0  }
0x2b: {  	s17 =	simm.s32 @!p0 $0x1;
	[sflag:s21] =	ssyncadd.s32 @!p0 $0xFFFFFF80  }
0x2c: {  	[tilespmem:s18], [sflag:$0x1] =	stream.indirect.gather @!p0 [hbm4b:s1+s20], $0x80, s19, s20, $0xb8;
	[tilespmem:$0x17D00] =	vst v63  }
.Ltmp0:
0x2d: {  	_ =	swait.ge @!p0 [sflag:s17], $0x4000;
	(pc) =	sbr.rel @p2 .LBB2_2-.Ltmp0, $4  }
0x2e: {  	[sflag:s17] =	ssyncset.done @!p0 $0x0  }
0x2f: {  	s15 =	sadd.s32 $0x20, s15;
	[sflag:s17] =	ssyncadd.s32 @!p0 $0xFFFFC000;
	s17 =	simm.s32 @!p0 $0x2  }
0x30: {  	[spmem:s2] =	stream.indirect.scatter.add.f32 @!p0 [tilespmem:s18], [sflag:$0x2], $0x80, s20, s20, $0xb8;
	[tilespmem:$0x17D00] =	vst v63  }
0x31: {  	p1 =	sgt.u32 s15, $0x4E1;
	_ =	swait.ge @!p0 [sflag:s17], $0x4000  }
0x32: {  	s15 =	sadd.s32 @!p1 s14, s11;
	s16 =	simm.s32 @!p1 $0x0;
	[sflag:s17] =	ssyncset.done @!p0 $0x0  }
0x33: {  	s18 =	simm.s32 @!p1 $0x80;
	s19 =	simm.s32 @!p1 $0x3;
	[sflag:s17] =	ssyncadd.s32 @!p0 $0xFFFFC000  }
0x34: {  	[tilespmem:s18], [sflag:$0x3] =	stream.linear.gather @!p1 [hbm4b:s15+s16], $0x80, $0x38;
	[tilespmem:$0x17D00] =	vst v63  }
0x35: {  	_ =	swait.ge @!p1 [sflag:s19], $0x80  }
0x36: {  	[sflag:s19] =	ssyncset.done @!p1 $0x0  }
0x37: {  	s14 =	sadd.s32 @!p1 s14, s10;
	p0 =	por p1, p1;
	[sflag:s19] =	ssyncadd.s32 @!p1 $0xFFFFFF80  }
0x38: {  	[tilespmem:s16], [sflag:$0x3] =	stream.linear.gather @!p0 [hbm4b:s14+s16], $0x80, $0x38;
	[tilespmem:$0x17D00] =	vst v63  }
0x39: {  	_ =	swait.ge @!p0 [sflag:s19], $0x80  }
0x3a: {  	[sflag:s19] =	ssyncset.done @!p0 $0x0  }
0x3b: {  	s15 =	simm.s32 @!p0 $0x1;
	s14 =	simm.s32 @!p0 $0x100;
	[sflag:s19] =	ssyncadd.s32 @!p0 $0xFFFFFF80  }
0x3c: {  	[tilespmem:s14], [sflag:$0x1] =	stream.indirect.gather @!p0 [hbm4b:s1+s18], $0x80, s16, s18, $0xb8;
	[tilespmem:$0x17D00] =	vst v63  }
0x3d: {  	_ =	swait.ge @!p0 [sflag:s15], $0x4000  }
0x3e: {  	[sflag:s15] =	ssyncset.done @!p0 $0x0  }
0x3f: {  	[sflag:s15] =	ssyncadd.s32 @!p0 $0xFFFFC000;
	s15 =	simm.s32 @!p0 $0x2  }
0x40: {  	[spmem:s2] =	stream.indirect.scatter.add.f32 @!p0 [tilespmem:s14], [sflag:$0x2], $0x80, s18, s18, $0xb8;
	[tilespmem:$0x17D00] =	vst v63  }
0x41: {  	_ =	swait.ge @!p0 [sflag:s15], $0x4000  }
0x42: {  	s4 =	sadd.s32 $0x1, s4;
	[sflag:s15] =	ssyncset.done @!p0 $0x0  }
0x43: {  	[sflag:s15] =	ssyncadd.s32 @!p0 $0xFFFFC000;
	p0 =	sne.s32 s4, s9  }
.Ltmp1:
0x44: {  	[bflag:$0x0] =	sbarrier.arrive $0xFFFF;
	(pc) =	sbr.rel @p0 .LBB2_1-.Ltmp1, $4  }
0x45: {  	[hbm:s8], [sflag:s7] =	dma.local [spmem:s12], $0x2780  }
0x46: {  	_ =	swait.ge [sflag:s13], $0x2780  }
0x47: {  	[sflag:s13] =	ssyncset.done $0x0  }
0x48: {  	[sflag:s13] =	ssyncadd.s32 $0xFFFFD880  }
0x49: {  	_ =	sfence.sel $0x180000  }
0x4a: {  	[bflag:$0x0] =	sbarrier.arrive $0xFFFF  }
0x4b: {  	p0 =	sne.s32 s3, $0x0;
	_ =	strace $0x9000004A  }
0x4c: {  	s0 =	sadd.s32 @!p0 $0x100000, s0;
	[bflag:$0x2] =	sbarrier.arrive $0xFFFF  }
0x4d: {  	[sflag:s0] =	ssyncadd.tile.s32 @!p0 $0x1;
	_ =	shalt  }
.Lfunc_end2:
_tile_overlayer_lowered:
.L_overlay_start_2:
0x4e: {  	(tag) =	ssettag $0x2  }
0x4f: {  	s0 =	rddreg [dreg:$0x0];
	s2 =	stileid.u32  }
0x50: {  	s1 =	rddreg [dreg:$0x1];
	p0 =	sne.s32 s2, $0x0  }
0x51: {  	s3 =	rddreg [dreg:$0x2];
	[bflag:$0x3] =	sbarrier.arrive $0xFFFF;
	s2 =	simm.s32 @!p0 $0x1C02  }
0x52: {  	[timem:s3], [sflag:s2] =	dma.local @!p0 [hbm:s0], s1  }
0x53: {  	s0 =	simm.s32 @!p0 $0x2  }
0x54: {  	_ =	swait.ge @!p0 [sflag:s0], s1  }
0x55: {  	s1 =	ssub.s32 @!p0 $0x0, s1;
	[sflag:s0] =	ssyncset.done @!p0 $0x0  }
0x56: {  	[sflag:s0] =	ssyncadd.s32 @!p0 s1  }
0x57: {  	[bflag:$0x3] =	sbarrier.arrive $0xFFFF  }
0x58: {  	_ =	shalt  }

// kernel: kernel.15.cloned.1.call-start
scs
__scs_entry_jumppad:
0x0: {  	(pc) =	sbr.rel $0x88, $3  }
0x1: {  	(tag) =	ssettag $0x0;
	lr =	simm.s32 $0x1  }
0x2: {  	[smem:$0x3F90] =	sst lr;
	_ =	strace $0xD0000000  }
0x3: {  	_ = 	snop  }
0x4: {  	_ = 	snop  }
0x5: {  	_ = 	snop  }
0x6: {  	_ = 	snop  }
0x7: {  	_ = 	snop  }
__scs_overlays_trampoline_lowered:
0x8: {  	[smem:$0x3F9F] =	sst s0  }
0x9: {  	[smem:$0x3FA0] =	sst s1  }
0xa: {  	[smem:$0x3FA1] =	sst s2  }
0xb: {  	[smem:$0x3FA2] =	sst s3  }
0xc: {  	[smem:$0x3FA3] =	sst s4  }
0xd: {  	[smem:$0x3FA4] =	sst s5  }
0xe: {  	[smem:$0x3FA5] =	sst s6  }
0xf: {  	[smem:$0x3FA6] =	sst s7  }
0x10: {  	[smem:$0x3FA7] =	sst s8  }
0x11: {  	[smem:$0x3FA8] =	sst s9;
	s0 =	simm.s32 @!p0 $0x0  }
0x12: {  	s1 =	sld [smem:$0x3F8E];
	s0 =	simm.s32 @p0 $0x1  }
0x13: {  	[smem:$0x3FA9] =	sst s0;
	s0 =	simm.s32 @!p1 $0x0  }
0x14: {  	s2 =	sld [smem:$0x3F8D];
	s0 =	simm.s32 @p1 $0x1  }
0x15: {  	[smem:$0x3FAA] =	sst s0;
	s0 =	simm.s32 @!p2 $0x0  }
0x16: {  	s3 =	sld [smem:$0x3FDB];
	s0 =	simm.s32 @p2 $0x1  }
0x17: {  	s4 =	simm.s32 $0x1BF5;
	[smem:$0x3FAC] =	sst s0  }
0x18: {  	s0 =	sld [smem:$0x3F8F];
	_ =	swait.ge [sflag:s4], $0x0  }
0x19: {  	s7 =	sld [smem:$0x3F90]  }
0x1a: {  	s8 =	sadd.s32 $0xFFFFE003, lr  }
0x1b: {  	s9 =	sadd.s32 $0xFFFFFEF7, lr;
	s5 =	simm.s32 $0xFFFFFFFF;
	p2 =	slt.u32 s8, $0xFFFFF086  }
0x1c: {  	p1 =	slt.u32 s9, $0xF7A;
	s5 =	simm.s32 @!p2 $0x0  }
0x1d: {  	s5 =	simm.s32 @p1 $0x1;
	p0 =	seq.s32 s7, s2  }
0x1e: {  	s7 =	smul.u32 @!p0 $0xF7A, s2;
	p2 =	seq.s32 @!p0 s5, $0x0  }
0x1f: {  	s9 =	smul.u32 $0xF7A, s1;
	s8 =	simm.s32 @!p0 $0x1BF5;
	p2 =	por !p2, p0  }
0x20: {  	[sflag:s8] =	ssyncset.s32 @!p0 $0xFFFFF086;
	s6 =	sadd.s32 @!p0 s3, s7;
	s7 =	simm.s32 @!p0 $0x108  }
0x21: {  	s3 =	sadd.s32 s3, s9;
	s6 =	sadd.s32 @!p0 $0x88, s6;
	s7 =	simm.s32 @p2 $0x1082  }
0x22: {  	[simem:s7], [sflag:s8] =	dma.local @!p0 [hbm:s6], $0xF7A  }
0x23: {  	s9 =	sor.u32 $0xD0000000, s2;
	s6 =	simm.s32 $0x108;
	_ =	swait.ge @!p0 [sflag:s8], $0x0  }
0x24: {  	s3 =	sadd.s32 $0x88, s3;
	s6 =	simm.s32 @!p1 $0x1082;
	[sflag:s4] =	ssyncset.s32 $0xFFFFF086  }
0x25: {  	[simem:s6], [sflag:s4] =	dma.local [hbm:s3], $0xF7A  }
0x26: {  	[smem:$0x3F90] =	sst s1;
	(tag) =	ssettag s2;
	_ =	strace s9  }
0x27: {  	s1 =	sld [smem:$0x3FA0]  }
0x28: {  	s2 =	sld [smem:$0x3FA1]  }
0x29: {  	s4 =	sld [smem:$0x3FA3]  }
0x2a: {  	p0 =	seq.s32 s5, $0x0;
	s5 =	sld [smem:$0x3FA4]  }
0x2b: {  	s6 =	sld [smem:$0x3FA5]  }
0x2c: {  	s7 =	sld [smem:$0x3FA6]  }
0x2d: {  	s3 =	simm.s32 $0x108;
	s8 =	sld [smem:$0x3FA7]  }
0x2e: {  	s3 =	simm.s32 @!p0 $0x1082;
	s9 =	sld [smem:$0x3FA8]  }
0x2f: {  	lr =	sadd.s32 s0, s3;
	s0 =	sld [smem:$0x3F9F]  }
0x30: {  	s3 =	sld [smem:$0x3FA2]  }
0x31: {  	[smem:$0x3FAB] =	sst s10  }
0x32: {  	s10 =	sld [smem:$0x3FA9];
	_ =	sdelay $0x3  }
0x33: {  	p0 =	seq.s32 s10, $0x1;
	s10 =	sld [smem:$0x3FAB];
	_ =	sdelay $0x3  }
0x34: {  	[smem:$0x3FAB] =	sst s10  }
0x35: {  	s10 =	sld [smem:$0x3FAA];
	_ =	sdelay $0x3  }
0x36: {  	p1 =	seq.s32 s10, $0x1;
	s10 =	sld [smem:$0x3FAB];
	_ =	sdelay $0x3  }
0x37: {  	[smem:$0x3FAB] =	sst s10  }
0x38: {  	s10 =	sld [smem:$0x3FAC]  }
0x39: {  	_ = 	snop;
	(pc) =	sbr.ind lr, $3  }
0x3a: {  	_ = 	snop  }
0x3b: {  	_ = 	snop  }
0x3c: {  	p2 =	seq.s32 s10, $0x1;
	s10 =	sld [smem:$0x3FAB]  }
0x3d: {  	_ =	shalt  }
0x3e: {  	_ =	shalt  }
0x3f: {  	_ =	shalt  }
0x40: {  	_ =	shalt  }
0x41: {  	_ =	shalt  }
0x42: {  	_ =	shalt  }
0x43: {  	_ =	shalt  }
0x44: {  	_ =	shalt  }
0x45: {  	_ =	shalt  }
0x46: {  	_ =	shalt  }
0x47: {  	_ =	shalt  }
0x48: {  	_ =	shalt  }
0x49: {  	_ =	shalt  }
0x4a: {  	_ =	shalt  }
0x4b: {  	_ =	shalt  }
0x4c: {  	_ =	shalt  }
0x4d: {  	_ =	shalt  }
0x4e: {  	_ =	shalt  }
0x4f: {  	_ =	shalt  }
0x50: {  	_ =	shalt  }
0x51: {  	_ =	shalt  }
0x52: {  	_ =	shalt  }
0x53: {  	_ =	shalt  }
0x54: {  	_ =	shalt  }
0x55: {  	_ =	shalt  }
0x56: {  	_ =	shalt  }
0x57: {  	_ =	shalt  }
0x58: {  	_ =	shalt  }
0x59: {  	_ =	shalt  }
0x5a: {  	_ =	shalt  }
0x5b: {  	_ =	shalt  }
0x5c: {  	_ =	shalt  }
0x5d: {  	_ =	shalt  }
0x5e: {  	_ =	shalt  }
0x5f: {  	_ =	shalt  }
0x60: {  	_ =	shalt  }
0x61: {  	_ =	shalt  }
0x62: {  	_ =	shalt  }
0x63: {  	_ =	shalt  }
0x64: {  	_ =	shalt  }
0x65: {  	_ =	shalt  }
0x66: {  	_ =	shalt  }
0x67: {  	_ =	shalt  }
0x68: {  	_ =	shalt  }
0x69: {  	_ =	shalt  }
0x6a: {  	_ =	shalt  }
0x6b: {  	_ =	shalt  }
0x6c: {  	_ =	shalt  }
0x6d: {  	_ =	shalt  }
0x6e: {  	_ =	shalt  }
0x6f: {  	_ =	shalt  }
0x70: {  	_ =	shalt  }
0x71: {  	_ =	shalt  }
0x72: {  	_ =	shalt  }
0x73: {  	_ =	shalt  }
0x74: {  	_ =	shalt  }
0x75: {  	_ =	shalt  }
0x76: {  	_ =	shalt  }
0x77: {  	_ =	shalt  }
0x78: {  	_ =	shalt  }
0x79: {  	_ =	shalt  }
0x7a: {  	_ =	shalt  }
0x7b: {  	_ =	shalt  }
0x7c: {  	_ =	shalt  }
0x7d: {  	_ =	shalt  }
0x7e: {  	_ =	shalt  }
0x7f: {  	_ =	shalt  }
0x80: {  	_ =	shalt  }
0x81: {  	_ =	shalt  }
0x82: {  	_ =	shalt  }
0x83: {  	_ =	shalt  }
0x84: {  	_ =	shalt  }
0x85: {  	_ =	shalt  }
0x86: {  	_ =	shalt  }
0x87: {  	_ =	shalt  }
.Lfunc_end0:
.L_simem_size_0:
called_computation.2_lowered:
.L_overlay_start_0:
0x88: {  	s2 =	sld [smem:$0x3FD9]  }
0x89: {  	s3 =	sld [smem:$0x3FFE];
	_ =	sdelay $0x1  }
0x8a: {  	s1 =	srdreg.scid  }
0x8b: {  	s0 =	sand.u32 $0x1, s1  }
0x8c: {  	s15 =	sshll.u32 s0, $0xA;
	s2 =	sadd.s32 s3, s2  }
0x8d: {  	s2 =	sadd.s32 s2, s15  }
0x8e: {  	[smem:$0x3FB7] =	sst s2  }
0x8f: {  	_ = 	snop  }
0x90: {  	s2 =	sld [smem:$0x3FD0];
	_ =	sdelay $0x2  }
0x91: {  	s16 =	simm.s32 $0xB;
	s4 =	simm.s32 $0x10  }
0x92: {  	[smem:s4], [sflag:s16] =	dma.local [hbm:s2], $0x1  }
0x93: {  	_ =	swait.eq [sflag:s16], $0x1  }
0x94: {  	[sflag:s16] =	ssyncset.done $0x0  }
0x95: {  	[sflag:s16] =	ssyncadd.s32 $0xFFFFFFFF  }
0x96: {  	s17 =	sld [smem:$0x10];
	(tm) =	ssettm $0x1  }
0x97: {  	s18 =	sld [smem:$0x3FFB];
	_ =	sdelay $0x3  }
0x98: {  	_ =	strace s18  }
0x99: {  	s2 =	sld [smem:$0x3FFC];
	_ =	sdelay $0x3  }
0x9a: {  	_ =	strace s2  }
0x9b: {  	s2 =	sld [smem:$0x3FFD];
	_ =	sdelay $0x3  }
0x9c: {  	_ =	strace s2  }
0x9d: {  	_ =	strace $0x8FFFFFFF  }
0x9e: {  	s19 =	sld [smem:$0x3FDB];
	_ =	sdelay $0x1  }
0x9f: {  	s20 =	simm.s32 $_scs_section_size  }
0xa0: {  	s5 =	simm.s32 $_size__tile_overlayer_lowered;
	s6 =	simm.s32 $_tile_overlayer_lowered  }
0xa1: {  	s7 =	simm.s32 $0x1BFF;
	s21 =	sshll.u32 s6, $0x1;
	s4 =	sadd.s32 s20, s19  }
0xa2: {  	s22 =	simm.s32 $0x0;
	s5 =	sshll.u32 s5, $0x1;
	s6 =	sadd.s32 s21, s4  }
0xa3: {  	[timem:s22], [sflag:s7] =	dma.local [hbm:s6], s5  }
0xa4: {  	_ =	swait.ge [sflag:s7], s5  }
0xa5: {  	s5 =	ssub.s32 $0x0, s5;
	[sflag:s7] =	ssyncset.done $0x0  }
0xa6: {  	[sflag:s7] =	ssyncadd.s32 s5;
	_ =	sdelay $0x1  }
0xa7: {  	s23 =	simm.s32 $0x1B8B  }
0xa8: {  	_ =	swait.ge [sflag:s23], $0x1  }
0xa9: {  	[sflag:s23] =	ssyncset.done $0x0  }
0xaa: {  	[sflag:s23] =	ssyncadd.s32 $0xFFFFFFFF  }
0xab: {  	s5 =	sld [smem:$0x0]  }
0xac: {  	s6 =	sand.u32 $0xFFFFFFFE, s1  }
0xad: {  	p0 =	sne.s32 s1, s6  }
0xae: {  	s6 =	sshll.u32 @p0 s6, $0xE  }
0xaf: {  	s6 =	sadd.s32 @p0 $0x11B8D, s6;
	s7 =	sshll.u32 @p0 s5, $0x11  }
0xb0: {  	s6 =	sor.u32 @p0 s7, s6  }
0xb1: {  	[sflag:s6] =	ssyncadd.remote.s32 @p0 $0x1;
	_ =	sdelay $0x1  }
0xb2: {  	s6 =	simm.s32 @p0 $0x1B8D  }
0xb3: {  	_ =	swait.eq @p0 [sflag:s6], $0x1  }
0xb4: {  	[sflag:s6] =	ssyncadd.s32 @p0 $0xFFFFFFFF  }
0xb5: {  	s7 =	sshll.u32 @!p0 s1, $0xE  }
0xb6: {  	s7 =	sor.u32 @!p0 $0x4000, s7;
	s6 =	simm.s32 @!p0 $0x1B8D  }
0xb7: {  	s5 =	sshll.u32 @!p0 s5, $0x11;
	s7 =	sadd.s32 @!p0 $0x11B8D, s7;
	_ =	swait.eq @!p0 [sflag:s6], $0x1  }
0xb8: {  	s5 =	sor.u32 @!p0 s5, s7;
	[sflag:s6] =	ssyncadd.s32 @!p0 $0xFFFFFFFF  }
0xb9: {  	s25 =	simm.s32 $0x1B8E;
	s24 =	sld [smem:$0x3FFE];
	[sflag:s5] =	ssyncadd.remote.s32 @!p0 $0x1  }
0xba: {  	s26 =	simm.s32 $execute0_lowered;
	[smem:$0x3FD2] =	sst s25  }
0xbb: {  	s6 =	sshll.u32 s26, $0x1;
	_ =	strace $0x8000004F;
	[dreg:$0x1] =	wrdreg $0xFFFFFFFF  }
0xbc: {  	s28 =	simm.s32 $_size_execute0_lowered;
	s4 =	sadd.s32 s4, s6;
	[dreg:$0x0] =	wrdreg $0x0  }
0xbd: {  	s6 =	sshll.u32 s28, $0x1;
	[dreg:$0x2] =	wrdreg s4  }
0xbe: {  	[dreg:$0x3] =	wrdreg s6  }
0xbf: {  	[dreg:$0x4] =	wrdreg $0xC0  }
0xc0: {  	_ =	task [dreg:s22], $0x5FFFF  }
0xc1: {  	[dreg:$0x1] =	wrdreg $0xFFFFFFFF  }
0xc2: {  	[dreg:$0x0] =	wrdreg $0x60  }
0xc3: {  	[dreg:$0x2] =	wrdreg s17  }
0xc4: {  	[dreg:$0x3] =	wrdreg s24  }
0xc5: {  	[dreg:$0x4] =	wrdreg $0x41000  }
0xc6: {  	[dreg:$0x5] =	wrdreg $0x9  }
0xc7: {  	_ =	task.clear_ibuf [dreg:s22], $0x6FFFF;
	_ =	strace $0x9000004F  }
0xc8: {  	s29 =	simm.s32 $0x9;
	_ =	strace $0x80000051  }
0xc9: {  	_ =	swait.ge [sflag:s29], $0x1  }
0xca: {  	[sflag:s29] =	ssyncadd.s32 $0xFFFFFFFF  }
0xcb: {  	_ =	strace $0x90000051  }
0xcc: {  	_ =	sfence  }
0xcd: {  	s30 =	sld [smem:$0x0];
	_ =	sdelay $0x2  }
0xce: {  	s31 =	sshll.u32 s1, $0xD;
	s1 =	sshrl.u32 s1, $0x2  }
0xcf: {  	s4 =	sand.u32 $0x4000, s31;
	s1 =	sadd.s32 s1, s30  }
0xd0: {  	s0 =	sor.u32 s4, s0;
	s1 =	sshll.u32 s1, $0x11  }
0xd1: {  	s0 =	sor.u32 s1, s0  }
0xd2: {  	s0 =	sadd.s32 $0x8F2B, s0  }
0xd3: {  	[sflag:s0] =	ssyncadd.remote.s32 $0x1  }
0xd4: {  	_ =	sfence.sel $0xFFFF  }
0xd5: {  	[dreg:$0x0] =	wrdreg $0xFFFFFFFF;
	(pc) =	sbr.abs _section_cstart, $3  }
0xd6: {  	[dreg:$0x1] =	wrdreg $0xFFFFFFFF  }
0xd7: {  	_ =	task.clear_ibuf [dreg:s22], $0x2FFFF;
	_ =	strace $0x9FFFFFFF  }
0xd8: {  	(tm) =	ssettm $0x7FFFFFFF  }
0xd9: {  	_ =	shalt  }
tec
execute0_lowered:
.L_overlay_start_1:
0x0: {  	(tag) =	ssettag $0x1  }
0x1: {  	s1 =	rddreg [dreg:$0x0]  }
0x2: {  	s6 =	rddreg [dreg:$0x1]  }
0x3: {  	s2 =	rddreg [dreg:$0x2]  }
0x4: {  	s3 =	srdreg.scid;
	s0 =	rddreg [dreg:$0x3]  }
0x5: {  	s4 =	simm.s32 $0x0;
	s7 =	sand.u32 $0x1, s3;
	s3 =	stileid.u32  }
0x6: {  	[smem:$0x7FF] =	sst s4;
	s8 =	smul.u32 $0x13C000, s7;
	s5 =	sshll.u32 s3, $0x5  }
0x7: {  	s9 =	smul.u32 $0x13C00, s3;
	_ =	strace $0x80000050;
	s28 =	ssub.s32 $0x2, s7  }
0x8: {  	s12 =	smul.u32 $0x4F000, s3;
	s30 =	sshll.u32 s3, $0x6;
	s13 =	sshll.u32 s7, $0x4  }
0x9: {  	s10 =	sadd.s32 s5, s6;
	s5 =	sadd.s32 $0xEE00, s6;
	s11 =	sshrl.u32 s28, $0x1  }
0xa: {  	s7 =	sor.u32 $0x1C02, s30;
	s8 =	sadd.s32 s9, s8;
	s9 =	ssub.s32 s28, s11  }
0xb: {  	s29 =	sshrl.u32 s12, $0x2;
	s31 =	sadd.s32 s13, s10;
	s13 =	simm.s32 $0x2  }
0xc: {  	s8 =	sshrl.u32 s8, $0x3;
	s14 =	sadd.s32 s29, s2;
	s9 =	smax.u32 s9, $0x1  }
0xd: {  	s10 =	sadd.s32 $0x9E00, s31;
	s11 =	sadd.s32 $0x4E00, s31;
	s8 =	sadd.s32 s8, s6  }
0xe: {  	s6 =	sshll.u32 s3, $0x1;
	s12 =	sshrl.u32 s14, $0x3;
	s8 =	sadd.s32 $0xFE800, s8  }
.LBB2_1:
0xf: {  	[spmem:s12], [sflag:s7] =	dma.local [hbm:s5], $0x2780  }
0x10: {  	_ =	swait.ge [sflag:s13], $0x2780  }
0x11: {  	p0 =	sgt.u32 s6, $0x4E1;
	[sflag:s13] =	ssyncset.done $0x0  }
0x12: {  	s14 =	sadd.s32 @!p0 $0x0, s11;
	s15 =	simm.s32 @!p0 $0x0;
	[sflag:s13] =	ssyncadd.s32 $0xFFFFD880  }
0x13: {  	s16 =	simm.s32 @!p0 $0x80;
	s17 =	simm.s32 @!p0 $0x3;
	[bflag:$0x0] =	sbarrier.arrive $0xFFFF  }
0x14: {  	[tilespmem:s16], [sflag:$0x3] =	stream.linear.gather @!p0 [hbm4b:s14+s15], $0x80, $0x38;
	[tilespmem:$0x17D00] =	vst v63  }
0x15: {  	_ =	swait.ge @!p0 [sflag:s17], $0x80  }
0x16: {  	[sflag:s17] =	ssyncset.done @!p0 $0x0  }
0x17: {  	s14 =	sadd.s32 @!p0 $0x0, s10;
	[sflag:s17] =	ssyncadd.s32 @!p0 $0xFFFFFF80;
	p0 =	por p0, p0  }
0x18: {  	[tilespmem:s15], [sflag:$0x3] =	stream.linear.gather @!p0 [hbm4b:s14+s15], $0x80, $0x38;
	[tilespmem:$0x17D00] =	vst v63  }
0x19: {  	_ =	swait.ge @!p0 [sflag:s17], $0x80  }
0x1a: {  	[sflag:s17] =	ssyncset.done @!p0 $0x0  }
0x1b: {  	s14 =	simm.s32 @!p0 $0x100;
	[sflag:s17] =	ssyncadd.s32 @!p0 $0xFFFFFF80;
	s17 =	simm.s32 @!p0 $0x1  }
0x1c: {  	[tilespmem:s14], [sflag:$0x1] =	stream.indirect.gather @!p0 [hbm4b:s1+s16], $0x80, s15, s16, $0xb8;
	[tilespmem:$0x17D00] =	vst v63  }
0x1d: {  	_ =	swait.ge @!p0 [sflag:s17], $0x4000  }
0x1e: {  	s15 =	sadd.s32 $0x20, s6;
	[sflag:s17] =	ssyncset.done @!p0 $0x0  }
0x1f: {  	p1 =	sgt.u32 s15, $0x4E1;
	[sflag:s17] =	ssyncadd.s32 @!p0 $0xFFFFC000;
	s17 =	simm.s32 @!p0 $0x2  }
0x20: {  	[spmem:s2] =	stream.indirect.scatter.add.f32 @!p0 [tilespmem:s14], [sflag:$0x2], $0x80, s16, s16, $0xb8;
	[tilespmem:$0x17D00] =	vst v63  }
0x21: {  	s14 =	simm.s32 $0x200;
	s16 =	simm.s32 $0x400;
	_ =	swait.ge @!p0 [sflag:s17], $0x4000  }
.LBB2_2:
0x22: {  	s18 =	sadd.s32 @!p1 s14, s11;
	s19 =	simm.s32 @!p1 $0x0;
	[sflag:s17] =	ssyncset.done @!p0 $0x0  }
0x23: {  	s20 =	simm.s32 @!p1 $0x80;
	s21 =	simm.s32 @!p1 $0x3;
	[sflag:s17] =	ssyncadd.s32 @!p0 $0xFFFFC000  }
0x24: {  	[tilespmem:s20], [sflag:$0x3] =	stream.linear.gather @!p1 [hbm4b:s18+s19], $0x80, $0x38;
	[tilespmem:$0x17D00] =	vst v63  }
0x25: {  	s17 =	smov.u32 s16;
	s16 =	sadd.s32 $0x200, s16;
	_ =	swait.ge @!p1 [sflag:s21], $0x80  }
0x26: {  	p2 =	sne.s32 s16, $0x5000;
	s18 =	sadd.s32 @!p1 s14, s10;
	[sflag:s21] =	ssyncset.done @!p1 $0x0  }
0x27: {  	p0 =	por p1, p1;
	s14 =	smov.u32 s17;
	[sflag:s21] =	ssyncadd.s32 @!p1 $0xFFFFFF80  }
0x28: {  	[tilespmem:s19], [sflag:$0x3] =	stream.linear.gather @!p0 [hbm4b:s18+s19], $0x80, $0x38;
	[tilespmem:$0x17D00] =	vst v63  }
0x29: {  	_ =	swait.ge @!p0 [sflag:s21], $0x80  }
0x2a: {  	s18 =	simm.s32 @!p0 $0x100;
	[sflag:s21] =	ssyncset.done @!p0 $0x0  }
0x2b: {  	s17 =	simm.s32 @!p0 $0x1;
	[sflag:s21] =	ssyncadd.s32 @!p0 $0xFFFFFF80  }
0x2c: {  	[tilespmem:s18], [sflag:$0x1] =	stream.indirect.gather @!p0 [hbm4b:s1+s20], $0x80, s19, s20, $0xb8;
	[tilespmem:$0x17D00] =	vst v63  }
.Ltmp0:
0x2d: {  	_ =	swait.ge @!p0 [sflag:s17], $0x4000;
	(pc) =	sbr.rel @p2 .LBB2_2-.Ltmp0, $4  }
0x2e: {  	[sflag:s17] =	ssyncset.done @!p0 $0x0  }
0x2f: {  	s15 =	sadd.s32 $0x20, s15;
	[sflag:s17] =	ssyncadd.s32 @!p0 $0xFFFFC000;
	s17 =	simm.s32 @!p0 $0x2  }
0x30: {  	[spmem:s2] =	stream.indirect.scatter.add.f32 @!p0 [tilespmem:s18], [sflag:$0x2], $0x80, s20, s20, $0xb8;
	[tilespmem:$0x17D00] =	vst v63  }
0x31: {  	p1 =	sgt.u32 s15, $0x4E1;
	_ =	swait.ge @!p0 [sflag:s17], $0x4000  }
0x32: {  	s15 =	sadd.s32 @!p1 s14, s11;
	s16 =	simm.s32 @!p1 $0x0;
	[sflag:s17] =	ssyncset.done @!p0 $0x0  }
0x33: {  	s18 =	simm.s32 @!p1 $0x80;
	s19 =	simm.s32 @!p1 $0x3;
	[sflag:s17] =	ssyncadd.s32 @!p0 $0xFFFFC000  }
0x34: {  	[tilespmem:s18], [sflag:$0x3] =	stream.linear.gather @!p1 [hbm4b:s15+s16], $0x80, $0x38;
	[tilespmem:$0x17D00] =	vst v63  }
0x35: {  	_ =	swait.ge @!p1 [sflag:s19], $0x80  }
0x36: {  	[sflag:s19] =	ssyncset.done @!p1 $0x0  }
0x37: {  	s14 =	sadd.s32 @!p1 s14, s10;
	p0 =	por p1, p1;
	[sflag:s19] =	ssyncadd.s32 @!p1 $0xFFFFFF80  }
0x38: {  	[tilespmem:s16], [sflag:$0x3] =	stream.linear.gather @!p0 [hbm4b:s14+s16], $0x80, $0x38;
	[tilespmem:$0x17D00] =	vst v63  }
0x39: {  	_ =	swait.ge @!p0 [sflag:s19], $0x80  }
0x3a: {  	[sflag:s19] =	ssyncset.done @!p0 $0x0  }
0x3b: {  	s15 =	simm.s32 @!p0 $0x1;
	s14 =	simm.s32 @!p0 $0x100;
	[sflag:s19] =	ssyncadd.s32 @!p0 $0xFFFFFF80  }
0x3c: {  	[tilespmem:s14], [sflag:$0x1] =	stream.indirect.gather @!p0 [hbm4b:s1+s18], $0x80, s16, s18, $0xb8;
	[tilespmem:$0x17D00] =	vst v63  }
0x3d: {  	_ =	swait.ge @!p0 [sflag:s15], $0x4000  }
0x3e: {  	[sflag:s15] =	ssyncset.done @!p0 $0x0  }
0x3f: {  	[sflag:s15] =	ssyncadd.s32 @!p0 $0xFFFFC000;
	s15 =	simm.s32 @!p0 $0x2  }
0x40: {  	[spmem:s2] =	stream.indirect.scatter.add.f32 @!p0 [tilespmem:s14], [sflag:$0x2], $0x80, s18, s18, $0xb8;
	[tilespmem:$0x17D00] =	vst v63  }
0x41: {  	_ =	swait.ge @!p0 [sflag:s15], $0x4000  }
0x42: {  	s4 =	sadd.s32 $0x1, s4;
	[sflag:s15] =	ssyncset.done @!p0 $0x0  }
0x43: {  	[sflag:s15] =	ssyncadd.s32 @!p0 $0xFFFFC000;
	p0 =	sne.s32 s4, s9  }
.Ltmp1:
0x44: {  	[bflag:$0x0] =	sbarrier.arrive $0xFFFF;
	(pc) =	sbr.rel @p0 .LBB2_1-.Ltmp1, $4  }
0x45: {  	[hbm:s8], [sflag:s7] =	dma.local [spmem:s12], $0x2780  }
0x46: {  	_ =	swait.ge [sflag:s13], $0x2780  }
0x47: {  	[sflag:s13] =	ssyncset.done $0x0  }
0x48: {  	[sflag:s13] =	ssyncadd.s32 $0xFFFFD880  }
0x49: {  	_ =	sfence.sel $0x180000  }
0x4a: {  	[bflag:$0x0] =	sbarrier.arrive $0xFFFF  }
0x4b: {  	p0 =	sne.s32 s3, $0x0;
	_ =	strace $0x90000050  }
0x4c: {  	s0 =	sadd.s32 @!p0 $0x100000, s0;
	[bflag:$0x2] =	sbarrier.arrive $0xFFFF  }
0x4d: {  	[sflag:s0] =	ssyncadd.tile.s32 @!p0 $0x1;
	_ =	shalt  }
.Lfunc_end2:
_tile_overlayer_lowered:
.L_overlay_start_2:
0x4e: {  	(tag) =	ssettag $0x2  }
0x4f: {  	s0 =	rddreg [dreg:$0x0];
	s2 =	stileid.u32  }
0x50: {  	s1 =	rddreg [dreg:$0x1];
	p0 =	sne.s32 s2, $0x0  }
0x51: {  	s3 =	rddreg [dreg:$0x2];
	[bflag:$0x3] =	sbarrier.arrive $0xFFFF;
	s2 =	simm.s32 @!p0 $0x1C02  }
0x52: {  	[timem:s3], [sflag:s2] =	dma.local @!p0 [hbm:s0], s1  }
0x53: {  	s0 =	simm.s32 @!p0 $0x2  }
0x54: {  	_ =	swait.ge @!p0 [sflag:s0], s1  }
0x55: {  	s1 =	ssub.s32 @!p0 $0x0, s1;
	[sflag:s0] =	ssyncset.done @!p0 $0x0  }
0x56: {  	[sflag:s0] =	ssyncadd.s32 @!p0 s1  }
0x57: {  	[bflag:$0x3] =	sbarrier.arrive $0xFFFF  }
0x58: {  	_ =	shalt  }

// kernel: kernel.18.cloned.1.call-start
scs
__scs_entry_jumppad:
0x0: {  	(pc) =	sbr.rel $0x88, $3  }
0x1: {  	(tag) =	ssettag $0x0;
	lr =	simm.s32 $0x1  }
0x2: {  	[smem:$0x3F90] =	sst lr;
	_ =	strace $0xD0000000  }
0x3: {  	_ = 	snop  }
0x4: {  	_ = 	snop  }
0x5: {  	_ = 	snop  }
0x6: {  	_ = 	snop  }
0x7: {  	_ = 	snop  }
__scs_overlays_trampoline_lowered:
0x8: {  	[smem:$0x3F9F] =	sst s0  }
0x9: {  	[smem:$0x3FA0] =	sst s1  }
0xa: {  	[smem:$0x3FA1] =	sst s2  }
0xb: {  	[smem:$0x3FA2] =	sst s3  }
0xc: {  	[smem:$0x3FA3] =	sst s4  }
0xd: {  	[smem:$0x3FA4] =	sst s5  }
0xe: {  	[smem:$0x3FA5] =	sst s6  }
0xf: {  	[smem:$0x3FA6] =	sst s7  }
0x10: {  	[smem:$0x3FA7] =	sst s8  }
0x11: {  	[smem:$0x3FA8] =	sst s9;
	s0 =	simm.s32 @!p0 $0x0  }
0x12: {  	s1 =	sld [smem:$0x3F8E];
	s0 =	simm.s32 @p0 $0x1  }
0x13: {  	[smem:$0x3FA9] =	sst s0;
	s0 =	simm.s32 @!p1 $0x0  }
0x14: {  	s2 =	sld [smem:$0x3F8D];
	s0 =	simm.s32 @p1 $0x1  }
0x15: {  	[smem:$0x3FAA] =	sst s0;
	s0 =	simm.s32 @!p2 $0x0  }
0x16: {  	s3 =	sld [smem:$0x3FDB];
	s0 =	simm.s32 @p2 $0x1  }
0x17: {  	s4 =	simm.s32 $0x1BF5;
	[smem:$0x3FAC] =	sst s0  }
0x18: {  	s0 =	sld [smem:$0x3F8F];
	_ =	swait.ge [sflag:s4], $0x0  }
0x19: {  	s7 =	sld [smem:$0x3F90]  }
0x1a: {  	s8 =	sadd.s32 $0xFFFFE003, lr  }
0x1b: {  	s9 =	sadd.s32 $0xFFFFFEF7, lr;
	s5 =	simm.s32 $0xFFFFFFFF;
	p2 =	slt.u32 s8, $0xFFFFF086  }
0x1c: {  	p1 =	slt.u32 s9, $0xF7A;
	s5 =	simm.s32 @!p2 $0x0  }
0x1d: {  	s5 =	simm.s32 @p1 $0x1;
	p0 =	seq.s32 s7, s2  }
0x1e: {  	s7 =	smul.u32 @!p0 $0xF7A, s2;
	p2 =	seq.s32 @!p0 s5, $0x0  }
0x1f: {  	s9 =	smul.u32 $0xF7A, s1;
	s8 =	simm.s32 @!p0 $0x1BF5;
	p2 =	por !p2, p0  }
0x20: {  	[sflag:s8] =	ssyncset.s32 @!p0 $0xFFFFF086;
	s6 =	sadd.s32 @!p0 s3, s7;
	s7 =	simm.s32 @!p0 $0x108  }
0x21: {  	s3 =	sadd.s32 s3, s9;
	s6 =	sadd.s32 @!p0 $0x88, s6;
	s7 =	simm.s32 @p2 $0x1082  }
0x22: {  	[simem:s7], [sflag:s8] =	dma.local @!p0 [hbm:s6], $0xF7A  }
0x23: {  	s9 =	sor.u32 $0xD0000000, s2;
	s6 =	simm.s32 $0x108;
	_ =	swait.ge @!p0 [sflag:s8], $0x0  }
0x24: {  	s3 =	sadd.s32 $0x88, s3;
	s6 =	simm.s32 @!p1 $0x1082;
	[sflag:s4] =	ssyncset.s32 $0xFFFFF086  }
0x25: {  	[simem:s6], [sflag:s4] =	dma.local [hbm:s3], $0xF7A  }
0x26: {  	[smem:$0x3F90] =	sst s1;
	(tag) =	ssettag s2;
	_ =	strace s9  }
0x27: {  	s1 =	sld [smem:$0x3FA0]  }
0x28: {  	s2 =	sld [smem:$0x3FA1]  }
0x29: {  	s4 =	sld [smem:$0x3FA3]  }
0x2a: {  	p0 =	seq.s32 s5, $0x0;
	s5 =	sld [smem:$0x3FA4]  }
0x2b: {  	s6 =	sld [smem:$0x3FA5]  }
0x2c: {  	s7 =	sld [smem:$0x3FA6]  }
0x2d: {  	s3 =	simm.s32 $0x108;
	s8 =	sld [smem:$0x3FA7]  }
0x2e: {  	s3 =	simm.s32 @!p0 $0x1082;
	s9 =	sld [smem:$0x3FA8]  }
0x2f: {  	lr =	sadd.s32 s0, s3;
	s0 =	sld [smem:$0x3F9F]  }
0x30: {  	s3 =	sld [smem:$0x3FA2]  }
0x31: {  	[smem:$0x3FAB] =	sst s10  }
0x32: {  	s10 =	sld [smem:$0x3FA9];
	_ =	sdelay $0x3  }
0x33: {  	p0 =	seq.s32 s10, $0x1;
	s10 =	sld [smem:$0x3FAB];
	_ =	sdelay $0x3  }
0x34: {  	[smem:$0x3FAB] =	sst s10  }
0x35: {  	s10 =	sld [smem:$0x3FAA];
	_ =	sdelay $0x3  }
0x36: {  	p1 =	seq.s32 s10, $0x1;
	s10 =	sld [smem:$0x3FAB];
	_ =	sdelay $0x3  }
0x37: {  	[smem:$0x3FAB] =	sst s10  }
0x38: {  	s10 =	sld [smem:$0x3FAC]  }
0x39: {  	_ = 	snop;
	(pc) =	sbr.ind lr, $3  }
0x3a: {  	_ = 	snop  }
0x3b: {  	_ = 	snop  }
0x3c: {  	p2 =	seq.s32 s10, $0x1;
	s10 =	sld [smem:$0x3FAB]  }
0x3d: {  	_ =	shalt  }
0x3e: {  	_ =	shalt  }
0x3f: {  	_ =	shalt  }
0x40: {  	_ =	shalt  }
0x41: {  	_ =	shalt  }
0x42: {  	_ =	shalt  }
0x43: {  	_ =	shalt  }
0x44: {  	_ =	shalt  }
0x45: {  	_ =	shalt  }
0x46: {  	_ =	shalt  }
0x47: {  	_ =	shalt  }
0x48: {  	_ =	shalt  }
0x49: {  	_ =	shalt  }
0x4a: {  	_ =	shalt  }
0x4b: {  	_ =	shalt  }
0x4c: {  	_ =	shalt  }
0x4d: {  	_ =	shalt  }
0x4e: {  	_ =	shalt  }
0x4f: {  	_ =	shalt  }
0x50: {  	_ =	shalt  }
0x51: {  	_ =	shalt  }
0x52: {  	_ =	shalt  }
0x53: {  	_ =	shalt  }
0x54: {  	_ =	shalt  }
0x55: {  	_ =	shalt  }
0x56: {  	_ =	shalt  }
0x57: {  	_ =	shalt  }
0x58: {  	_ =	shalt  }
0x59: {  	_ =	shalt  }
0x5a: {  	_ =	shalt  }
0x5b: {  	_ =	shalt  }
0x5c: {  	_ =	shalt  }
0x5d: {  	_ =	shalt  }
0x5e: {  	_ =	shalt  }
0x5f: {  	_ =	shalt  }
0x60: {  	_ =	shalt  }
0x61: {  	_ =	shalt  }
0x62: {  	_ =	shalt  }
0x63: {  	_ =	shalt  }
0x64: {  	_ =	shalt  }
0x65: {  	_ =	shalt  }
0x66: {  	_ =	shalt  }
0x67: {  	_ =	shalt  }
0x68: {  	_ =	shalt  }
0x69: {  	_ =	shalt  }
0x6a: {  	_ =	shalt  }
0x6b: {  	_ =	shalt  }
0x6c: {  	_ =	shalt  }
0x6d: {  	_ =	shalt  }
0x6e: {  	_ =	shalt  }
0x6f: {  	_ =	shalt  }
0x70: {  	_ =	shalt  }
0x71: {  	_ =	shalt  }
0x72: {  	_ =	shalt  }
0x73: {  	_ =	shalt  }
0x74: {  	_ =	shalt  }
0x75: {  	_ =	shalt  }
0x76: {  	_ =	shalt  }
0x77: {  	_ =	shalt  }
0x78: {  	_ =	shalt  }
0x79: {  	_ =	shalt  }
0x7a: {  	_ =	shalt  }
0x7b: {  	_ =	shalt  }
0x7c: {  	_ =	shalt  }
0x7d: {  	_ =	shalt  }
0x7e: {  	_ =	shalt  }
0x7f: {  	_ =	shalt  }
0x80: {  	_ =	shalt  }
0x81: {  	_ =	shalt  }
0x82: {  	_ =	shalt  }
0x83: {  	_ =	shalt  }
0x84: {  	_ =	shalt  }
0x85: {  	_ =	shalt  }
0x86: {  	_ =	shalt  }
0x87: {  	_ =	shalt  }
.Lfunc_end0:
.L_simem_size_0:
called_computation.3_lowered:
.L_overlay_start_0:
0x88: {  	s2 =	sld [smem:$0x3FD9]  }
0x89: {  	s3 =	sld [smem:$0x3FFE];
	_ =	sdelay $0x1  }
0x8a: {  	s1 =	srdreg.scid  }
0x8b: {  	s0 =	sand.u32 $0x1, s1  }
0x8c: {  	s16 =	sshll.u32 s0, $0xA;
	s2 =	sadd.s32 s3, s2  }
0x8d: {  	s2 =	sadd.s32 s2, s16  }
0x8e: {  	[smem:$0x3FB7] =	sst s2  }
0x8f: {  	_ = 	snop  }
0x90: {  	(tm) =	ssettm $0x1  }
0x91: {  	s17 =	sld [smem:$0x3FFB];
	_ =	sdelay $0x3  }
0x92: {  	_ =	strace s17  }
0x93: {  	s2 =	sld [smem:$0x3FFC];
	_ =	sdelay $0x3  }
0x94: {  	_ =	strace s2  }
0x95: {  	s2 =	sld [smem:$0x3FFD];
	_ =	sdelay $0x3  }
0x96: {  	_ =	strace s2  }
0x97: {  	_ =	strace $0x8FFFFFFF  }
0x98: {  	s18 =	sld [smem:$0x3FDB];
	_ =	sdelay $0x1  }
0x99: {  	s19 =	simm.s32 $_scs_section_size  }
0x9a: {  	s4 =	simm.s32 $_size__tile_overlayer_lowered;
	s5 =	simm.s32 $_tile_overlayer_lowered  }
0x9b: {  	s22 =	simm.s32 $0x1BFF;
	s21 =	sshll.u32 s5, $0x1;
	s2 =	sadd.s32 s19, s18  }
0x9c: {  	s6 =	simm.s32 $0x0;
	s20 =	sshll.u32 s4, $0x1;
	s4 =	sadd.s32 s21, s2  }
0x9d: {  	[timem:s6], [sflag:s22] =	dma.local [hbm:s4], s20  }
0x9e: {  	_ =	swait.ge [sflag:s22], s20  }
0x9f: {  	s3 =	ssub.s32 $0x0, s20;
	[sflag:s22] =	ssyncset.done $0x0  }
0xa0: {  	[sflag:s22] =	ssyncadd.s32 s3;
	_ =	sdelay $0x1  }
0xa1: {  	s23 =	simm.s32 $0x1B8B  }
0xa2: {  	_ =	swait.ge [sflag:s23], $0x1  }
0xa3: {  	[sflag:s23] =	ssyncset.done $0x0  }
0xa4: {  	s25 =	simm.s32 $0x1B8E;
	s24 =	sld [smem:$0x3FFE];
	[sflag:s23] =	ssyncadd.s32 $0xFFFFFFFF  }
0xa5: {  	s26 =	simm.s32 $execute0_lowered;
	[smem:$0x3FD2] =	sst s25  }
0xa6: {  	s4 =	sshll.u32 s26, $0x1;
	_ =	strace $0x8000004C;
	[dreg:$0x1] =	wrdreg $0xFFFFFFFF  }
0xa7: {  	s28 =	simm.s32 $_size_execute0_lowered;
	s2 =	sadd.s32 s2, s4;
	[dreg:$0x0] =	wrdreg $0x0  }
0xa8: {  	s4 =	sshll.u32 s28, $0x1;
	[dreg:$0x2] =	wrdreg s2  }
0xa9: {  	[dreg:$0x3] =	wrdreg s4  }
0xaa: {  	[dreg:$0x4] =	wrdreg $0xC0  }
0xab: {  	_ =	task [dreg:s6], $0x5FFFF  }
0xac: {  	[dreg:$0x1] =	wrdreg $0xFFFFFFFF  }
0xad: {  	[dreg:$0x0] =	wrdreg $0x60  }
0xae: {  	[dreg:$0x2] =	wrdreg s24  }
0xaf: {  	[dreg:$0x3] =	wrdreg $0x41000  }
0xb0: {  	[dreg:$0x4] =	wrdreg $0xA  }
0xb1: {  	_ =	task.clear_ibuf [dreg:s6], $0x5FFFF;
	_ =	strace $0x9000004C  }
0xb2: {  	s29 =	simm.s32 $0xA;
	_ =	strace $0x8000004E  }
0xb3: {  	_ =	swait.ge [sflag:s29], $0x1  }
0xb4: {  	[sflag:s29] =	ssyncadd.s32 $0xFFFFFFFF  }
0xb5: {  	_ =	strace $0x9000004E  }
0xb6: {  	_ =	sfence  }
0xb7: {  	s30 =	sld [smem:$0x0];
	_ =	sdelay $0x2  }
0xb8: {  	s31 =	sshll.u32 s1, $0xD;
	s1 =	sshrl.u32 s1, $0x2  }
0xb9: {  	s3 =	sand.u32 $0x4000, s31;
	s1 =	sadd.s32 s1, s30  }
0xba: {  	s0 =	sor.u32 s3, s0;
	s1 =	sshll.u32 s1, $0x11  }
0xbb: {  	s0 =	sor.u32 s1, s0  }
0xbc: {  	s0 =	sadd.s32 $0x8F2B, s0  }
0xbd: {  	[sflag:s0] =	ssyncadd.remote.s32 $0x1  }
0xbe: {  	_ =	sfence.sel $0xFFFF  }
0xbf: {  	[dreg:$0x0] =	wrdreg $0xFFFFFFFF;
	(pc) =	sbr.abs _section_cstart, $3  }
0xc0: {  	[dreg:$0x1] =	wrdreg $0xFFFFFFFF  }
0xc1: {  	_ =	task.clear_ibuf [dreg:s6], $0x2FFFF;
	_ =	strace $0x9FFFFFFF  }
0xc2: {  	(tm) =	ssettm $0x7FFFFFFF  }
0xc3: {  	_ =	shalt  }
tec
execute0_lowered:
.L_overlay_start_1:
0x0: {  	(tag) =	ssettag $0x1  }
0x1: {  	s6 =	rddreg [dreg:$0x0]  }
0x2: {  	s1 =	rddreg [dreg:$0x1]  }
0x3: {  	s2 =	srdreg.scid;
	s0 =	rddreg [dreg:$0x2];
	s3 =	simm.s32 $0x0  }
0x4: {  	s7 =	sand.u32 $0x1, s2;
	s2 =	stileid.u32;
	[smem:$0x7FF] =	sst s3  }
0x5: {  	s4 =	sadd.s32 $0x60600, s6;
	s8 =	smul.u32 $0x13C000, s7;
	s5 =	sshll.u32 s2, $0x5  }
0x6: {  	s9 =	smul.u32 $0x13C00, s2;
	_ =	strace $0x8000004D;
	s28 =	ssub.s32 $0x2, s7  }
0x7: {  	s12 =	smul.u32 $0x4F000, s2;
	s30 =	sshll.u32 s2, $0x6;
	s13 =	sshll.u32 s7, $0x4  }
0x8: {  	s10 =	sadd.s32 s5, s6;
	s5 =	sadd.s32 $0xEE00, s6;
	s11 =	sshrl.u32 s28, $0x1  }
0x9: {  	s7 =	sor.u32 $0x1C02, s30;
	s8 =	sadd.s32 s9, s8;
	s9 =	ssub.s32 s28, s11  }
0xa: {  	s29 =	sshrl.u32 s12, $0x2;
	s31 =	sadd.s32 s13, s10;
	s13 =	simm.s32 $0x2  }
0xb: {  	s8 =	sshrl.u32 s8, $0x3;
	s14 =	sadd.s32 s29, s1;
	s9 =	smax.u32 s9, $0x1  }
0xc: {  	s10 =	sadd.s32 $0x9E00, s31;
	s11 =	sadd.s32 $0x4E00, s31;
	s8 =	sadd.s32 s8, s6  }
0xd: {  	s6 =	sshll.u32 s2, $0x1;
	s12 =	sshrl.u32 s14, $0x3;
	s8 =	sadd.s32 $0xAF800, s8  }
.LBB2_1:
0xe: {  	[spmem:s12], [sflag:s7] =	dma.local [hbm:s5], $0x2780  }
0xf: {  	_ =	swait.ge [sflag:s13], $0x2780  }
0x10: {  	p0 =	sgt.u32 s6, $0x4E1;
	[sflag:s13] =	ssyncset.done $0x0  }
0x11: {  	s14 =	sadd.s32 @!p0 $0x0, s11;
	s15 =	simm.s32 @!p0 $0x0;
	[sflag:s13] =	ssyncadd.s32 $0xFFFFD880  }
0x12: {  	s16 =	simm.s32 @!p0 $0x80;
	s17 =	simm.s32 @!p0 $0x3;
	[bflag:$0x0] =	sbarrier.arrive $0xFFFF  }
0x13: {  	[tilespmem:s16], [sflag:$0x3] =	stream.linear.gather @!p0 [hbm4b:s14+s15], $0x80, $0x38;
	[tilespmem:$0x17D00] =	vst v63  }
0x14: {  	_ =	swait.ge @!p0 [sflag:s17], $0x80  }
0x15: {  	[sflag:s17] =	ssyncset.done @!p0 $0x0  }
0x16: {  	s14 =	sadd.s32 @!p0 $0x0, s10;
	[sflag:s17] =	ssyncadd.s32 @!p0 $0xFFFFFF80;
	p0 =	por p0, p0  }
0x17: {  	[tilespmem:s15], [sflag:$0x3] =	stream.linear.gather @!p0 [hbm4b:s14+s15], $0x80, $0x38;
	[tilespmem:$0x17D00] =	vst v63  }
0x18: {  	_ =	swait.ge @!p0 [sflag:s17], $0x80  }
0x19: {  	[sflag:s17] =	ssyncset.done @!p0 $0x0  }
0x1a: {  	s14 =	simm.s32 @!p0 $0x100;
	[sflag:s17] =	ssyncadd.s32 @!p0 $0xFFFFFF80;
	s17 =	simm.s32 @!p0 $0x1  }
0x1b: {  	[tilespmem:s14], [sflag:$0x1] =	stream.indirect.gather @!p0 [hbm4b:s4+s16], $0x80, s15, s16, $0xb8;
	[tilespmem:$0x17D00] =	vst v63  }
0x1c: {  	_ =	swait.ge @!p0 [sflag:s17], $0x4000  }
0x1d: {  	s15 =	sadd.s32 $0x20, s6;
	[sflag:s17] =	ssyncset.done @!p0 $0x0  }
0x1e: {  	p1 =	sgt.u32 s15, $0x4E1;
	[sflag:s17] =	ssyncadd.s32 @!p0 $0xFFFFC000;
	s17 =	simm.s32 @!p0 $0x2  }
0x1f: {  	[spmem:s1] =	stream.indirect.scatter.add.f32 @!p0 [tilespmem:s14], [sflag:$0x2], $0x80, s16, s16, $0xb8;
	[tilespmem:$0x17D00] =	vst v63  }
0x20: {  	s14 =	simm.s32 $0x200;
	s16 =	simm.s32 $0x400;
	_ =	swait.ge @!p0 [sflag:s17], $0x4000  }
.LBB2_2:
0x21: {  	s18 =	sadd.s32 @!p1 s14, s11;
	s19 =	simm.s32 @!p1 $0x0;
	[sflag:s17] =	ssyncset.done @!p0 $0x0  }
0x22: {  	s20 =	simm.s32 @!p1 $0x80;
	s21 =	simm.s32 @!p1 $0x3;
	[sflag:s17] =	ssyncadd.s32 @!p0 $0xFFFFC000  }
0x23: {  	[tilespmem:s20], [sflag:$0x3] =	stream.linear.gather @!p1 [hbm4b:s18+s19], $0x80, $0x38;
	[tilespmem:$0x17D00] =	vst v63  }
0x24: {  	s17 =	smov.u32 s16;
	s16 =	sadd.s32 $0x200, s16;
	_ =	swait.ge @!p1 [sflag:s21], $0x80  }
0x25: {  	p2 =	sne.s32 s16, $0x5000;
	s18 =	sadd.s32 @!p1 s14, s10;
	[sflag:s21] =	ssyncset.done @!p1 $0x0  }
0x26: {  	p0 =	por p1, p1;
	s14 =	smov.u32 s17;
	[sflag:s21] =	ssyncadd.s32 @!p1 $0xFFFFFF80  }
0x27: {  	[tilespmem:s19], [sflag:$0x3] =	stream.linear.gather @!p0 [hbm4b:s18+s19], $0x80, $0x38;
	[tilespmem:$0x17D00] =	vst v63  }
0x28: {  	_ =	swait.ge @!p0 [sflag:s21], $0x80  }
0x29: {  	s18 =	simm.s32 @!p0 $0x100;
	[sflag:s21] =	ssyncset.done @!p0 $0x0  }
0x2a: {  	s17 =	simm.s32 @!p0 $0x1;
	[sflag:s21] =	ssyncadd.s32 @!p0 $0xFFFFFF80  }
0x2b: {  	[tilespmem:s18], [sflag:$0x1] =	stream.indirect.gather @!p0 [hbm4b:s4+s20], $0x80, s19, s20, $0xb8;
	[tilespmem:$0x17D00] =	vst v63  }
.Ltmp0:
0x2c: {  	_ =	swait.ge @!p0 [sflag:s17], $0x4000;
	(pc) =	sbr.rel @p2 .LBB2_2-.Ltmp0, $4  }
0x2d: {  	[sflag:s17] =	ssyncset.done @!p0 $0x0  }
0x2e: {  	s15 =	sadd.s32 $0x20, s15;
	[sflag:s17] =	ssyncadd.s32 @!p0 $0xFFFFC000;
	s17 =	simm.s32 @!p0 $0x2  }
0x2f: {  	[spmem:s1] =	stream.indirect.scatter.add.f32 @!p0 [tilespmem:s18], [sflag:$0x2], $0x80, s20, s20, $0xb8;
	[tilespmem:$0x17D00] =	vst v63  }
0x30: {  	p1 =	sgt.u32 s15, $0x4E1;
	_ =	swait.ge @!p0 [sflag:s17], $0x4000  }
0x31: {  	s15 =	sadd.s32 @!p1 s14, s11;
	s16 =	simm.s32 @!p1 $0x0;
	[sflag:s17] =	ssyncset.done @!p0 $0x0  }
0x32: {  	s18 =	simm.s32 @!p1 $0x80;
	s19 =	simm.s32 @!p1 $0x3;
	[sflag:s17] =	ssyncadd.s32 @!p0 $0xFFFFC000  }
0x33: {  	[tilespmem:s18], [sflag:$0x3] =	stream.linear.gather @!p1 [hbm4b:s15+s16], $0x80, $0x38;
	[tilespmem:$0x17D00] =	vst v63  }
0x34: {  	_ =	swait.ge @!p1 [sflag:s19], $0x80  }
0x35: {  	[sflag:s19] =	ssyncset.done @!p1 $0x0  }
0x36: {  	s14 =	sadd.s32 @!p1 s14, s10;
	p0 =	por p1, p1;
	[sflag:s19] =	ssyncadd.s32 @!p1 $0xFFFFFF80  }
0x37: {  	[tilespmem:s16], [sflag:$0x3] =	stream.linear.gather @!p0 [hbm4b:s14+s16], $0x80, $0x38;
	[tilespmem:$0x17D00] =	vst v63  }
0x38: {  	_ =	swait.ge @!p0 [sflag:s19], $0x80  }
0x39: {  	[sflag:s19] =	ssyncset.done @!p0 $0x0  }
0x3a: {  	s15 =	simm.s32 @!p0 $0x1;
	s14 =	simm.s32 @!p0 $0x100;
	[sflag:s19] =	ssyncadd.s32 @!p0 $0xFFFFFF80  }
0x3b: {  	[tilespmem:s14], [sflag:$0x1] =	stream.indirect.gather @!p0 [hbm4b:s4+s18], $0x80, s16, s18, $0xb8;
	[tilespmem:$0x17D00] =	vst v63  }
0x3c: {  	_ =	swait.ge @!p0 [sflag:s15], $0x4000  }
0x3d: {  	[sflag:s15] =	ssyncset.done @!p0 $0x0  }
0x3e: {  	[sflag:s15] =	ssyncadd.s32 @!p0 $0xFFFFC000;
	s15 =	simm.s32 @!p0 $0x2  }
0x3f: {  	[spmem:s1] =	stream.indirect.scatter.add.f32 @!p0 [tilespmem:s14], [sflag:$0x2], $0x80, s18, s18, $0xb8;
	[tilespmem:$0x17D00] =	vst v63  }
0x40: {  	_ =	swait.ge @!p0 [sflag:s15], $0x4000  }
0x41: {  	s3 =	sadd.s32 $0x1, s3;
	[sflag:s15] =	ssyncset.done @!p0 $0x0  }
0x42: {  	[sflag:s15] =	ssyncadd.s32 @!p0 $0xFFFFC000;
	p0 =	sne.s32 s3, s9  }
.Ltmp1:
0x43: {  	[bflag:$0x0] =	sbarrier.arrive $0xFFFF;
	(pc) =	sbr.rel @p0 .LBB2_1-.Ltmp1, $4  }
0x44: {  	[hbm:s8], [sflag:s7] =	dma.local [spmem:s12], $0x2780  }
0x45: {  	_ =	swait.ge [sflag:s13], $0x2780  }
0x46: {  	[sflag:s13] =	ssyncset.done $0x0  }
0x47: {  	[sflag:s13] =	ssyncadd.s32 $0xFFFFD880  }
0x48: {  	_ =	sfence.sel $0x180000  }
0x49: {  	[bflag:$0x0] =	sbarrier.arrive $0xFFFF  }
0x4a: {  	p0 =	sne.s32 s2, $0x0;
	_ =	strace $0x9000004D  }
0x4b: {  	s0 =	sadd.s32 @!p0 $0x100000, s0;
	[bflag:$0x2] =	sbarrier.arrive $0xFFFF  }
0x4c: {  	[sflag:s0] =	ssyncadd.tile.s32 @!p0 $0x1;
	_ =	shalt  }
.Lfunc_end2:
_tile_overlayer_lowered:
.L_overlay_start_2:
0x4d: {  	(tag) =	ssettag $0x2  }
0x4e: {  	s0 =	rddreg [dreg:$0x0];
	s2 =	stileid.u32  }
0x4f: {  	s1 =	rddreg [dreg:$0x1];
	p0 =	sne.s32 s2, $0x0  }
0x50: {  	s3 =	rddreg [dreg:$0x2];
	[bflag:$0x3] =	sbarrier.arrive $0xFFFF;
	s2 =	simm.s32 @!p0 $0x1C02  }
0x51: {  	[timem:s3], [sflag:s2] =	dma.local @!p0 [hbm:s0], s1  }
0x52: {  	s0 =	simm.s32 @!p0 $0x2  }
0x53: {  	_ =	swait.ge @!p0 [sflag:s0], s1  }
0x54: {  	s1 =	ssub.s32 @!p0 $0x0, s1;
	[sflag:s0] =	ssyncset.done @!p0 $0x0  }
0x55: {  	[sflag:s0] =	ssyncadd.s32 @!p0 s1  }
0x56: {  	[bflag:$0x3] =	sbarrier.arrive $0xFFFF  }
0x57: {  	_ =	shalt  }

// kernel: kernel.9.cloned.1.call-start
scs
__scs_entry_jumppad:
0x0: {  	(pc) =	sbr.rel $0x88, $3  }
0x1: {  	(tag) =	ssettag $0x0;
	lr =	simm.s32 $0x1  }
0x2: {  	[smem:$0x3F90] =	sst lr;
	_ =	strace $0xD0000000  }
0x3: {  	_ = 	snop  }
0x4: {  	_ = 	snop  }
0x5: {  	_ = 	snop  }
0x6: {  	_ = 	snop  }
0x7: {  	_ = 	snop  }
__scs_overlays_trampoline_lowered:
0x8: {  	[smem:$0x3F9F] =	sst s0  }
0x9: {  	[smem:$0x3FA0] =	sst s1  }
0xa: {  	[smem:$0x3FA1] =	sst s2  }
0xb: {  	[smem:$0x3FA2] =	sst s3  }
0xc: {  	[smem:$0x3FA3] =	sst s4  }
0xd: {  	[smem:$0x3FA4] =	sst s5  }
0xe: {  	[smem:$0x3FA5] =	sst s6  }
0xf: {  	[smem:$0x3FA6] =	sst s7  }
0x10: {  	[smem:$0x3FA7] =	sst s8  }
0x11: {  	[smem:$0x3FA8] =	sst s9;
	s0 =	simm.s32 @!p0 $0x0  }
0x12: {  	s1 =	sld [smem:$0x3F8E];
	s0 =	simm.s32 @p0 $0x1  }
0x13: {  	[smem:$0x3FA9] =	sst s0;
	s0 =	simm.s32 @!p1 $0x0  }
0x14: {  	s2 =	sld [smem:$0x3F8D];
	s0 =	simm.s32 @p1 $0x1  }
0x15: {  	[smem:$0x3FAA] =	sst s0;
	s0 =	simm.s32 @!p2 $0x0  }
0x16: {  	s3 =	sld [smem:$0x3FDB];
	s0 =	simm.s32 @p2 $0x1  }
0x17: {  	s4 =	simm.s32 $0x1BF5;
	[smem:$0x3FAC] =	sst s0  }
0x18: {  	s0 =	sld [smem:$0x3F8F];
	_ =	swait.ge [sflag:s4], $0x0  }
0x19: {  	s7 =	sld [smem:$0x3F90]  }
0x1a: {  	s8 =	sadd.s32 $0xFFFFE003, lr  }
0x1b: {  	s9 =	sadd.s32 $0xFFFFFEF7, lr;
	s5 =	simm.s32 $0xFFFFFFFF;
	p2 =	slt.u32 s8, $0xFFFFF086  }
0x1c: {  	p1 =	slt.u32 s9, $0xF7A;
	s5 =	simm.s32 @!p2 $0x0  }
0x1d: {  	s5 =	simm.s32 @p1 $0x1;
	p0 =	seq.s32 s7, s2  }
0x1e: {  	s7 =	smul.u32 @!p0 $0xF7A, s2;
	p2 =	seq.s32 @!p0 s5, $0x0  }
0x1f: {  	s9 =	smul.u32 $0xF7A, s1;
	s8 =	simm.s32 @!p0 $0x1BF5;
	p2 =	por !p2, p0  }
0x20: {  	[sflag:s8] =	ssyncset.s32 @!p0 $0xFFFFF086;
	s6 =	sadd.s32 @!p0 s3, s7;
	s7 =	simm.s32 @!p0 $0x108  }
0x21: {  	s3 =	sadd.s32 s3, s9;
	s6 =	sadd.s32 @!p0 $0x88, s6;
	s7 =	simm.s32 @p2 $0x1082  }
0x22: {  	[simem:s7], [sflag:s8] =	dma.local @!p0 [hbm:s6], $0xF7A  }
0x23: {  	s9 =	sor.u32 $0xD0000000, s2;
	s6 =	simm.s32 $0x108;
	_ =	swait.ge @!p0 [sflag:s8], $0x0  }
0x24: {  	s3 =	sadd.s32 $0x88, s3;
	s6 =	simm.s32 @!p1 $0x1082;
	[sflag:s4] =	ssyncset.s32 $0xFFFFF086  }
0x25: {  	[simem:s6], [sflag:s4] =	dma.local [hbm:s3], $0xF7A  }
0x26: {  	[smem:$0x3F90] =	sst s1;
	(tag) =	ssettag s2;
	_ =	strace s9  }
0x27: {  	s1 =	sld [smem:$0x3FA0]  }
0x28: {  	s2 =	sld [smem:$0x3FA1]  }
0x29: {  	s4 =	sld [smem:$0x3FA3]  }
0x2a: {  	p0 =	seq.s32 s5, $0x0;
	s5 =	sld [smem:$0x3FA4]  }
0x2b: {  	s6 =	sld [smem:$0x3FA5]  }
0x2c: {  	s7 =	sld [smem:$0x3FA6]  }
0x2d: {  	s3 =	simm.s32 $0x108;
	s8 =	sld [smem:$0x3FA7]  }
0x2e: {  	s3 =	simm.s32 @!p0 $0x1082;
	s9 =	sld [smem:$0x3FA8]  }
0x2f: {  	lr =	sadd.s32 s0, s3;
	s0 =	sld [smem:$0x3F9F]  }
0x30: {  	s3 =	sld [smem:$0x3FA2]  }
0x31: {  	[smem:$0x3FAB] =	sst s10  }
0x32: {  	s10 =	sld [smem:$0x3FA9];
	_ =	sdelay $0x3  }
0x33: {  	p0 =	seq.s32 s10, $0x1;
	s10 =	sld [smem:$0x3FAB];
	_ =	sdelay $0x3  }
0x34: {  	[smem:$0x3FAB] =	sst s10  }
0x35: {  	s10 =	sld [smem:$0x3FAA];
	_ =	sdelay $0x3  }
0x36: {  	p1 =	seq.s32 s10, $0x1;
	s10 =	sld [smem:$0x3FAB];
	_ =	sdelay $0x3  }
0x37: {  	[smem:$0x3FAB] =	sst s10  }
0x38: {  	s10 =	sld [smem:$0x3FAC]  }
0x39: {  	_ = 	snop;
	(pc) =	sbr.ind lr, $3  }
0x3a: {  	_ = 	snop  }
0x3b: {  	_ = 	snop  }
0x3c: {  	p2 =	seq.s32 s10, $0x1;
	s10 =	sld [smem:$0x3FAB]  }
0x3d: {  	_ =	shalt  }
0x3e: {  	_ =	shalt  }
0x3f: {  	_ =	shalt  }
0x40: {  	_ =	shalt  }
0x41: {  	_ =	shalt  }
0x42: {  	_ =	shalt  }
0x43: {  	_ =	shalt  }
0x44: {  	_ =	shalt  }
0x45: {  	_ =	shalt  }
0x46: {  	_ =	shalt  }
0x47: {  	_ =	shalt  }
0x48: {  	_ =	shalt  }
0x49: {  	_ =	shalt  }
0x4a: {  	_ =	shalt  }
0x4b: {  	_ =	shalt  }
0x4c: {  	_ =	shalt  }
0x4d: {  	_ =	shalt  }
0x4e: {  	_ =	shalt  }
0x4f: {  	_ =	shalt  }
0x50: {  	_ =	shalt  }
0x51: {  	_ =	shalt  }
0x52: {  	_ =	shalt  }
0x53: {  	_ =	shalt  }
0x54: {  	_ =	shalt  }
0x55: {  	_ =	shalt  }
0x56: {  	_ =	shalt  }
0x57: {  	_ =	shalt  }
0x58: {  	_ =	shalt  }
0x59: {  	_ =	shalt  }
0x5a: {  	_ =	shalt  }
0x5b: {  	_ =	shalt  }
0x5c: {  	_ =	shalt  }
0x5d: {  	_ =	shalt  }
0x5e: {  	_ =	shalt  }
0x5f: {  	_ =	shalt  }
0x60: {  	_ =	shalt  }
0x61: {  	_ =	shalt  }
0x62: {  	_ =	shalt  }
0x63: {  	_ =	shalt  }
0x64: {  	_ =	shalt  }
0x65: {  	_ =	shalt  }
0x66: {  	_ =	shalt  }
0x67: {  	_ =	shalt  }
0x68: {  	_ =	shalt  }
0x69: {  	_ =	shalt  }
0x6a: {  	_ =	shalt  }
0x6b: {  	_ =	shalt  }
0x6c: {  	_ =	shalt  }
0x6d: {  	_ =	shalt  }
0x6e: {  	_ =	shalt  }
0x6f: {  	_ =	shalt  }
0x70: {  	_ =	shalt  }
0x71: {  	_ =	shalt  }
0x72: {  	_ =	shalt  }
0x73: {  	_ =	shalt  }
0x74: {  	_ =	shalt  }
0x75: {  	_ =	shalt  }
0x76: {  	_ =	shalt  }
0x77: {  	_ =	shalt  }
0x78: {  	_ =	shalt  }
0x79: {  	_ =	shalt  }
0x7a: {  	_ =	shalt  }
0x7b: {  	_ =	shalt  }
0x7c: {  	_ =	shalt  }
0x7d: {  	_ =	shalt  }
0x7e: {  	_ =	shalt  }
0x7f: {  	_ =	shalt  }
0x80: {  	_ =	shalt  }
0x81: {  	_ =	shalt  }
0x82: {  	_ =	shalt  }
0x83: {  	_ =	shalt  }
0x84: {  	_ =	shalt  }
0x85: {  	_ =	shalt  }
0x86: {  	_ =	shalt  }
0x87: {  	_ =	shalt  }
.Lfunc_end0:
.L_simem_size_0:
called_computation_lowered:
.L_overlay_start_0:
0x88: {  	s2 =	sld [smem:$0x3FD9]  }
0x89: {  	s3 =	sld [smem:$0x3FFE];
	_ =	sdelay $0x1  }
0x8a: {  	s1 =	srdreg.scid  }
0x8b: {  	s0 =	sand.u32 $0x1, s1  }
0x8c: {  	s16 =	sshll.u32 s0, $0xA;
	s2 =	sadd.s32 s3, s2  }
0x8d: {  	s2 =	sadd.s32 s2, s16  }
0x8e: {  	[smem:$0x3FB7] =	sst s2  }
0x8f: {  	_ = 	snop  }
0x90: {  	(tm) =	ssettm $0x1  }
0x91: {  	s17 =	sld [smem:$0x3FFB];
	_ =	sdelay $0x3  }
0x92: {  	_ =	strace s17  }
0x93: {  	s2 =	sld [smem:$0x3FFC];
	_ =	sdelay $0x3  }
0x94: {  	_ =	strace s2  }
0x95: {  	s2 =	sld [smem:$0x3FFD];
	_ =	sdelay $0x3  }
0x96: {  	_ =	strace s2  }
0x97: {  	_ =	strace $0x8FFFFFFF  }
0x98: {  	s18 =	sld [smem:$0x3FDB];
	_ =	sdelay $0x1  }
0x99: {  	s19 =	simm.s32 $_scs_section_size  }
0x9a: {  	s4 =	simm.s32 $_size__tile_overlayer_lowered;
	s5 =	simm.s32 $_tile_overlayer_lowered  }
0x9b: {  	s22 =	simm.s32 $0x1BFF;
	s21 =	sshll.u32 s5, $0x1;
	s2 =	sadd.s32 s19, s18  }
0x9c: {  	s6 =	simm.s32 $0x0;
	s20 =	sshll.u32 s4, $0x1;
	s4 =	sadd.s32 s21, s2  }
0x9d: {  	[timem:s6], [sflag:s22] =	dma.local [hbm:s4], s20  }
0x9e: {  	_ =	swait.ge [sflag:s22], s20  }
0x9f: {  	s3 =	ssub.s32 $0x0, s20;
	[sflag:s22] =	ssyncset.done $0x0  }
0xa0: {  	[sflag:s22] =	ssyncadd.s32 s3;
	_ =	sdelay $0x1  }
0xa1: {  	s23 =	simm.s32 $0x1B8B  }
0xa2: {  	_ =	swait.ge [sflag:s23], $0x1  }
0xa3: {  	[sflag:s23] =	ssyncset.done $0x0  }
0xa4: {  	s25 =	simm.s32 $0x1B8E;
	s24 =	sld [smem:$0x3FFE];
	[sflag:s23] =	ssyncadd.s32 $0xFFFFFFFF  }
0xa5: {  	s26 =	simm.s32 $execute0_lowered;
	[smem:$0x3FD2] =	sst s25  }
0xa6: {  	s4 =	sshll.u32 s26, $0x1;
	_ =	strace $0x80000046;
	[dreg:$0x1] =	wrdreg $0xFFFFFFFF  }
0xa7: {  	s28 =	simm.s32 $_size_execute0_lowered;
	s2 =	sadd.s32 s2, s4;
	[dreg:$0x0] =	wrdreg $0x0  }
0xa8: {  	s4 =	sshll.u32 s28, $0x1;
	[dreg:$0x2] =	wrdreg s2  }
0xa9: {  	[dreg:$0x3] =	wrdreg s4  }
0xaa: {  	[dreg:$0x4] =	wrdreg $0xC0  }
0xab: {  	_ =	task [dreg:s6], $0x5FFFF  }
0xac: {  	[dreg:$0x1] =	wrdreg $0xFFFFFFFF  }
0xad: {  	[dreg:$0x0] =	wrdreg $0x60  }
0xae: {  	[dreg:$0x2] =	wrdreg s24  }
0xaf: {  	[dreg:$0x3] =	wrdreg $0x40800  }
0xb0: {  	[dreg:$0x4] =	wrdreg $0x9  }
0xb1: {  	_ =	task.clear_ibuf [dreg:s6], $0x5FFFF;
	_ =	strace $0x90000046  }
0xb2: {  	s29 =	simm.s32 $0x9;
	_ =	strace $0x80000048  }
0xb3: {  	_ =	swait.ge [sflag:s29], $0x1  }
0xb4: {  	[sflag:s29] =	ssyncadd.s32 $0xFFFFFFFF  }
0xb5: {  	_ =	strace $0x90000048  }
0xb6: {  	_ =	sfence  }
0xb7: {  	s30 =	sld [smem:$0x0];
	_ =	sdelay $0x2  }
0xb8: {  	s31 =	sshll.u32 s1, $0xD;
	s1 =	sshrl.u32 s1, $0x2  }
0xb9: {  	s3 =	sand.u32 $0x4000, s31;
	s1 =	sadd.s32 s1, s30  }
0xba: {  	s0 =	sor.u32 s3, s0;
	s1 =	sshll.u32 s1, $0x11  }
0xbb: {  	s0 =	sor.u32 s1, s0  }
0xbc: {  	s0 =	sadd.s32 $0x8F2B, s0  }
0xbd: {  	[sflag:s0] =	ssyncadd.remote.s32 $0x1  }
0xbe: {  	_ =	sfence.sel $0xFFFF  }
0xbf: {  	[dreg:$0x0] =	wrdreg $0xFFFFFFFF;
	(pc) =	sbr.abs _section_cstart, $3  }
0xc0: {  	[dreg:$0x1] =	wrdreg $0xFFFFFFFF  }
0xc1: {  	_ =	task.clear_ibuf [dreg:s6], $0x2FFFF;
	_ =	strace $0x9FFFFFFF  }
0xc2: {  	(tm) =	ssettm $0x7FFFFFFF  }
0xc3: {  	_ =	shalt  }
tec
execute0_lowered:
.L_overlay_start_1:
0x0: {  	(tag) =	ssettag $0x1  }
0x1: {  	s5 =	rddreg [dreg:$0x0]  }
0x2: {  	s1 =	rddreg [dreg:$0x1];
	s2 =	srdreg.scid  }
0x3: {  	s0 =	rddreg [dreg:$0x2];
	s8 =	sand.u32 $0x1, s2  }
0x4: {  	s3 =	simm.s32 $0x0;
	s2 =	stileid.u32;
	s4 =	smul.u32 $0x13C000, s8  }
0x5: {  	[smem:$0x7FF] =	sst s3;
	s6 =	sshll.u32 s2, $0xC;
	s7 =	smul.u32 $0x13C00, s2  }
0x6: {  	_ =	strace $0x80000047;
	s25 =	sshll.u32 s2, $0x5;
	s26 =	ssub.s32 $0x2, s8  }
0x7: {  	s12 =	smul.u32 $0x4F000, s2;
	s29 =	sshll.u32 s2, $0x6;
	s30 =	sshll.u32 s8, $0xB  }
0x8: {  	s31 =	sshll.u32 s8, $0x4;
	s9 =	sadd.s32 s6, s5;
	s10 =	sadd.s32 s25, s5  }
0x9: {  	s11 =	sshrl.u32 s26, $0x1;
	s6 =	sor.u32 $0x1C01, s29;
	s4 =	sadd.s32 s7, s4  }
0xa: {  	s11 =	ssub.s32 s26, s11;
	s28 =	sshrl.u32 s12, $0x2;
	s9 =	sadd.s32 s30, s9  }
0xb: {  	s10 =	sadd.s32 s31, s10;
	s12 =	simm.s32 $0x1;
	s7 =	sshrl.u32 s4, $0x3  }
0xc: {  	s4 =	sadd.s32 $0xEE00, s5;
	s13 =	sadd.s32 s28, s1;
	s8 =	smax.u32 s11, $0x1  }
0xd: {  	s9 =	sadd.s32 $0x27FE00, s9;
	s10 =	sadd.s32 $0x4E00, s10;
	s7 =	sadd.s32 s7, s5  }
0xe: {  	s5 =	sshll.u32 s2, $0x1;
	s11 =	sshrl.u32 s13, $0x3;
	s7 =	sadd.s32 $0x11600, s7  }
.LBB2_1:
0xf: {  	[spmem:s11], [sflag:s6] =	dma.local [hbm:s4], $0x2780  }
0x10: {  	_ =	swait.ge [sflag:s12], $0x2780  }
0x11: {  	s13 =	sadd.s32 $0x0, s5;
	[sflag:s12] =	ssyncset.done $0x0  }
0x12: {  	p0 =	sgt.u32 s13, $0x4E1;
	[sflag:s12] =	ssyncadd.s32 $0xFFFFD880  }
0x13: {  	s13 =	simm.s32 @!p0 $0x0;
	s15 =	simm.s32 @!p0 $0x2;
	[bflag:$0x0] =	sbarrier.arrive $0xFFFF  }
0x14: {  	[tilespmem:s13], [sflag:$0x2] =	stream.linear.gather @!p0 [hbm4b:s10+s13], $0x80, $0x38;
	[tilespmem:$0x17C80] =	vst v63  }
0x15: {  	_ =	swait.ge @!p0 [sflag:s15], $0x80  }
0x16: {  	[sflag:s15] =	ssyncset.done @!p0 $0x0;
	p0 =	por p0, p0  }
0x17: {  	[sflag:s15] =	ssyncadd.s32 @!p0 $0xFFFFFF80;
	s17 =	simm.s32 @!p0 $0x80  }
0x18: {  	[tilespmem:s17], [sflag:$0x2] =	stream.linear.gather @!p0 [hbm4b:s9+s13], $0x4000, $0x38;
	[tilespmem:$0x17C80] =	vst v63  }
0x19: {  	_ =	swait.ge @!p0 [sflag:s15], $0x4000  }
0x1a: {  	[sflag:s15] =	ssyncset.done @!p0 $0x0  }
0x1b: {  	s31 =	sadd.s32 $0x20, s5;
	s16 =	simm.s32 @!p0 $0x1;
	[sflag:s15] =	ssyncadd.s32 @!p0 $0xFFFFC000  }
0x1c: {  	[spmem:s1] =	stream.indirect.scatter.add.f32 @!p0 [tilespmem:s17], [sflag:$0x1], $0x80, s13, s17, $0xb8;
	[tilespmem:$0x17C80] =	vst v63  }
0x1d: {  	s14 =	simm.s32 $0x40;
	p1 =	sgt.u32 s31, $0x4E1;
	_ =	swait.ge @!p0 [sflag:s16], $0x4000  }
0x1e: {  	s15 =	sadd.s32 $0x200, s10;
	s13 =	sadd.s32 $0x10000, s9;
	[sflag:s16] =	ssyncset.done @!p0 $0x0  }
.LBB2_2:
0x1f: {  	s17 =	simm.s32 @!p1 $0x0;
	s18 =	simm.s32 @!p1 $0x2;
	[sflag:s16] =	ssyncadd.s32 @!p0 $0xFFFFC000  }
0x20: {  	[tilespmem:s17], [sflag:$0x2] =	stream.linear.gather @!p1 [hbm4b:s15+s17], $0x80, $0x38;
	[tilespmem:$0x17C80] =	vst v63  }
0x21: {  	s19 =	smov.u32 s14;
	s14 =	sadd.s32 $0x20, s14;
	_ =	swait.ge @!p1 [sflag:s18], $0x80  }
0x22: {  	p0 =	por p1, p1;
	p2 =	sne.s32 s14, $0x500;
	[sflag:s18] =	ssyncset.done @!p1 $0x0  }
0x23: {  	s20 =	simm.s32 @!p0 $0x80;
	[sflag:s18] =	ssyncadd.s32 @!p0 $0xFFFFFF80  }
0x24: {  	[tilespmem:s20], [sflag:$0x2] =	stream.linear.gather @!p0 [hbm4b:s13+s17], $0x4000, $0x38;
	[tilespmem:$0x17C80] =	vst v63  }
0x25: {  	_ =	swait.ge @!p0 [sflag:s18], $0x4000  }
.Ltmp0:
0x26: {  	[sflag:s18] =	ssyncset.done @!p0 $0x0;
	(pc) =	sbr.rel @p2 .LBB2_2-.Ltmp0, $4  }
0x27: {  	s16 =	simm.s32 @!p0 $0x1;
	[sflag:s18] =	ssyncadd.s32 @!p0 $0xFFFFC000  }
0x28: {  	[spmem:s1] =	stream.indirect.scatter.add.f32 @!p0 [tilespmem:s20], [sflag:$0x1], $0x80, s17, s20, $0xb8;
	[tilespmem:$0x17C80] =	vst v63  }
0x29: {  	s15 =	sadd.s32 $0x200, s15;
	s17 =	sadd.s32 s19, s5;
	_ =	swait.ge @!p0 [sflag:s16], $0x4000  }
0x2a: {  	s13 =	sadd.s32 $0x10000, s13;
	p1 =	sgt.u32 s17, $0x4E1;
	[sflag:s16] =	ssyncset.done @!p0 $0x0  }
0x2b: {  	s14 =	simm.s32 @!p1 $0x0;
	s17 =	simm.s32 @!p1 $0x2;
	[sflag:s16] =	ssyncadd.s32 @!p0 $0xFFFFC000  }
0x2c: {  	[tilespmem:s14], [sflag:$0x2] =	stream.linear.gather @!p1 [hbm4b:s15+s14], $0x80, $0x38;
	[tilespmem:$0x17C80] =	vst v63  }
0x2d: {  	_ =	swait.ge @!p1 [sflag:s17], $0x80  }
0x2e: {  	p0 =	por p1, p1;
	[sflag:s17] =	ssyncset.done @!p1 $0x0  }
0x2f: {  	s15 =	simm.s32 @!p0 $0x80;
	[sflag:s17] =	ssyncadd.s32 @!p0 $0xFFFFFF80  }
0x30: {  	[tilespmem:s15], [sflag:$0x2] =	stream.linear.gather @!p0 [hbm4b:s13+s14], $0x4000, $0x38;
	[tilespmem:$0x17C80] =	vst v63  }
0x31: {  	_ =	swait.ge @!p0 [sflag:s17], $0x4000  }
0x32: {  	[sflag:s17] =	ssyncset.done @!p0 $0x0  }
0x33: {  	s13 =	simm.s32 @!p0 $0x1;
	[sflag:s17] =	ssyncadd.s32 @!p0 $0xFFFFC000  }
0x34: {  	[spmem:s1] =	stream.indirect.scatter.add.f32 @!p0 [tilespmem:s15], [sflag:$0x1], $0x80, s14, s15, $0xb8;
	[tilespmem:$0x17C80] =	vst v63  }
0x35: {  	_ =	swait.ge @!p0 [sflag:s13], $0x4000  }
0x36: {  	s3 =	sadd.s32 $0x1, s3;
	[sflag:s13] =	ssyncset.done @!p0 $0x0  }
0x37: {  	[sflag:s13] =	ssyncadd.s32 @!p0 $0xFFFFC000;
	p0 =	sne.s32 s3, s8  }
.Ltmp1:
0x38: {  	[bflag:$0x0] =	sbarrier.arrive $0xFFFF;
	(pc) =	sbr.rel @p0 .LBB2_1-.Ltmp1, $4  }
0x39: {  	[hbm:s7], [sflag:s6] =	dma.local [spmem:s11], $0x2780  }
0x3a: {  	_ =	swait.ge [sflag:s12], $0x2780  }
0x3b: {  	[sflag:s12] =	ssyncset.done $0x0  }
0x3c: {  	[sflag:s12] =	ssyncadd.s32 $0xFFFFD880  }
0x3d: {  	_ =	sfence.sel $0x180000  }
0x3e: {  	[bflag:$0x0] =	sbarrier.arrive $0xFFFF  }
0x3f: {  	p0 =	sne.s32 s2, $0x0;
	_ =	strace $0x90000047  }
0x40: {  	s0 =	sadd.s32 @!p0 $0x100000, s0;
	[bflag:$0x2] =	sbarrier.arrive $0xFFFF  }
0x41: {  	[sflag:s0] =	ssyncadd.tile.s32 @!p0 $0x1;
	_ =	shalt  }
.Lfunc_end2:
_tile_overlayer_lowered:
.L_overlay_start_2:
0x42: {  	(tag) =	ssettag $0x2  }
0x43: {  	s0 =	rddreg [dreg:$0x0];
	s2 =	stileid.u32  }
0x44: {  	s1 =	rddreg [dreg:$0x1];
	p0 =	sne.s32 s2, $0x0  }
0x45: {  	s3 =	rddreg [dreg:$0x2];
	[bflag:$0x3] =	sbarrier.arrive $0xFFFF;
	s2 =	simm.s32 @!p0 $0x1C01  }
0x46: {  	[timem:s3], [sflag:s2] =	dma.local @!p0 [hbm:s0], s1  }
0x47: {  	s0 =	simm.s32 @!p0 $0x1  }
0x48: {  	_ =	swait.ge @!p0 [sflag:s0], s1  }
0x49: {  	s1 =	ssub.s32 @!p0 $0x0, s1;
	[sflag:s0] =	ssyncset.done @!p0 $0x0  }
0x4a: {  	[sflag:s0] =	ssyncadd.s32 @!p0 s1  }
0x4b: {  	[bflag:$0x3] =	sbarrier.arrive $0xFFFF  }
0x4c: {  	_ =	shalt  }

</sc_bundles>
